<compile_context>
chip_gen: v7x
topology: tpu7x:2x2x1
jax: 0.10.2.dev20260603
libtpu: 0.0.44.dev20260713+nightly
codegen_flags: <defaults>
</compile_context>

<pallas_src>
import functools

import jax
import jax.numpy as jnp
from jax import lax
from jax.experimental import pallas as pl
from jax.experimental.pallas import tpu as pltpu
from jax.experimental.pallas import tpu_sc as plsc

VOCAB = 64001
DIM = 128
MAX_LEN = 200
B = 4096
TOK = B * MAX_LEN
EPS = 1e-12


def _transform_body(w_ref, w2_ref, o_ref):
    o_ref[...] = lax.dot_general(
        w_ref[...], w2_ref[...], (((1,), (1,)), ((), ())),
        preferred_element_type=jnp.float32)


def _transform_table(word_table, W2):
    R = 512
    return pl.pallas_call(
        _transform_body,
        grid=(pl.cdiv(VOCAB, R),),
        in_specs=[pl.BlockSpec((R, DIM), lambda i: (i, 0)),
                  pl.BlockSpec((DIM, DIM), lambda i: (0, 0))],
        out_specs=pl.BlockSpec((R, DIM), lambda i: (i, 0)),
        out_shape=jax.ShapeDtypeStruct((VOCAB, DIM), jnp.float32),
    )(word_table, W2)


_NW = 32
_B_PER_W = TOK // _NW
_CH = 256
_IR = _CH // 128
_NCH = _B_PER_W // _CH


def _sc_gather(table, ids2d):
    mesh = plsc.VectorSubcoreMesh(core_axis_name="c", subcore_axis_name="s")

    @functools.partial(
        pl.kernel,
        out_type=jax.ShapeDtypeStruct((TOK, DIM), jnp.float32),
        mesh=mesh,
        scratch_types=[
            pltpu.VMEM((2, _IR, 128), jnp.int32),
            pltpu.VMEM((2, _CH, DIM), jnp.float32),
            pltpu.SemaphoreType.DMA,
            pltpu.SemaphoreType.DMA,
            pltpu.SemaphoreType.DMA,
            pltpu.SemaphoreType.DMA,
        ],
        compiler_params=pltpu.CompilerParams(use_tc_tiling_on_sc=False),
    )
    def k(t_hbm, ids_hbm, out_hbm, idx_v, rows_v, sg0, sg1, so0, so1):
        wid = lax.axis_index("s") * 2 + lax.axis_index("c")
        sg = (sg0, sg1)
        so = (so0, so1)

        def issue(g, b):
            irow = wid * (_B_PER_W // 128) + g * _IR
            pltpu.sync_copy(ids_hbm.at[pl.ds(irow, _IR)], idx_v.at[b])
            for j in range(_IR):
                pltpu.async_copy(t_hbm.at[idx_v.at[b].at[j]],
                                 rows_v.at[b].at[pl.ds(j * 128, 128)], sg[b])

        def flush(g, b):
            for j in range(_IR):
                pltpu.make_async_copy(t_hbm.at[idx_v.at[b].at[j]],
                                      rows_v.at[b].at[pl.ds(j * 128, 128)],
                                      sg[b]).wait()
            base = wid * _B_PER_W + g * _CH
            pltpu.async_copy(rows_v.at[b], out_hbm.at[pl.ds(base, _CH)], so[b])

        def wait_out(b):
            pltpu.make_async_copy(rows_v.at[b], out_hbm.at[pl.ds(0, _CH)],
                                  so[b]).wait()

        issue(0, 0)

        def body(i, carry):
            g0 = 2 * i

            @pl.when(i >= 1)
            def _():
                wait_out(1)
            issue(g0 + 1, 1)
            flush(g0, 0)
            wait_out(0)

            @pl.when(g0 + 2 < _NCH)
            def _():
                issue(g0 + 2, 0)
            flush(g0 + 1, 1)
            return carry

        lax.fori_loop(0, _NCH // 2, body, 0)
        wait_out(1)

    return k(table, ids2d)


_BR = 16
_N = _BR * MAX_LEN


def _ln_body(g_ref, seg_ref, pos_ref, typ_ref, gam_ref, bet_ref, o_ref):
    x = g_ref[...]
    seg = seg_ref[...]
    oneh = (seg == lax.broadcasted_iota(jnp.int32, (_N, 8), 1)
            ).astype(jnp.float32)
    t = lax.dot_general(oneh, typ_ref[...], (((1,), (0,)), ((), ())),
                        preferred_element_type=jnp.float32)
    x = x + pos_ref[...] + t
    ones = jnp.ones((DIM, 1), jnp.float32)
    dot = lambda a: lax.dot_general(a, ones, (((1,), (0,)), ((), ())),
                                    preferred_element_type=jnp.float32)
    ssum = dot(x)
    ssq = dot(x * x)
    mean = ssum * (1.0 / DIM)
    var = ssq * (1.0 / DIM) - mean * mean
    r = lax.rsqrt(var + EPS)
    o_ref[...] = (x - mean) * r * gam_ref[...] + bet_ref[...]


def _ln(gathered, segment_ids, pos16, type_table, gamma, beta):
    full = lambda shape: pl.BlockSpec(shape, lambda i: tuple(0 for _ in shape))
    typ8 = jnp.zeros((8, DIM), jnp.float32).at[:3].set(type_table)
    return pl.pallas_call(
        _ln_body,
        grid=(TOK // _N,),
        in_specs=[
            pl.BlockSpec((_N, DIM), lambda i: (i, 0)),
            pl.BlockSpec((_N, 1), lambda i: (i, 0)),
            full((_N, DIM)),
            full((8, DIM)),
            full((1, DIM)), full((1, DIM)),
        ],
        out_specs=pl.BlockSpec((_N, DIM), lambda i: (i, 0)),
        out_shape=jax.ShapeDtypeStruct((TOK, DIM), jnp.float32),
    )(gathered, segment_ids.reshape(TOK, 1),
      pos16, typ8,
      gamma.reshape(1, DIM), beta.reshape(1, DIM))


def kernel(input_ids, segment_ids, word_table, W2, pos_table, type_table,
           gamma, beta):
    table = _transform_table(word_table, W2)
    ids2d = input_ids.astype(jnp.int32).reshape(TOK // 128, 128)
    gathered = _sc_gather(table, ids2d)
    pos16 = jnp.tile(pos_table, (_BR, 1))
    out = _ln(gathered, segment_ids.astype(jnp.int32),
              pos16, type_table, gamma, beta)
    return out.reshape(B, MAX_LEN, DIM)

# --- scband reference (transcript-rebuilt; emitter-appended) ---
"""Pipeline reference for scband-embeddings-28123445854827 (READ-ONLY COPY).

The authoritative reference and input builder live on the scoring server;
editing this copy changes nothing except your own understanding.
"""

import jax, jax.numpy as jnp
import numpy as np

VOCAB = 64001
WDIM = 128   # phobert word embedding dim feeding the Linear(128, dim)
DIM = 128    # MODEL_CONFIG.dim
MAX_LEN = 200
B = 4096
EPS = 1e-12


def setup_inputs(seed: int = 0) -> dict:
    key = jax.random.key(seed)
    ks = jax.random.split(key, 8)
    input_ids = jax.random.randint(ks[0], (B, MAX_LEN), 0, VOCAB, dtype=jnp.int64) if jax.config.jax_enable_x64 else jax.random.randint(ks[0], (B, MAX_LEN), 0, VOCAB)
    segment_ids = jax.random.randint(ks[1], (B, MAX_LEN), 0, 3)
    word_table = jax.random.normal(ks[2], (VOCAB, WDIM), dtype=jnp.float32) * 0.02
    W2 = jax.random.normal(ks[3], (DIM, WDIM), dtype=jnp.float32) * 0.02  # torch Linear weight [out, in]
    pos_table = jax.random.normal(ks[4], (MAX_LEN, DIM), dtype=jnp.float32) * 0.02
    type_table = jax.random.normal(ks[5], (3, DIM), dtype=jnp.float32) * 0.02
    gamma = jnp.ones((DIM,), dtype=jnp.float32)
    beta = jnp.zeros((DIM,), dtype=jnp.float32)
    return {
        "input_ids": input_ids,
        "segment_ids": segment_ids,
        "word_table": word_table,
        "W2": W2,
        "pos_table": pos_table,
        "type_table": type_table,
        "gamma": gamma,
        "beta": beta,
    }


def reference(input_ids, segment_ids, word_table, W2, pos_table, type_table, gamma, beta):
    # position_ids = arange(max_len) expanded to input_ids' shape (position_ids=None path)
    position_ids = jnp.broadcast_to(jnp.arange(MAX_LEN, dtype=input_ids.dtype)[None, :], input_ids.shape)
    words = jnp.take(word_table, input_ids, axis=0)            # [B, L, 128] gather
    words = words @ W2.T                                       # Linear(128, dim, bias=False)
    pos = jnp.take(pos_table, position_ids, axis=0)            # [B, L, dim] gather
    typ = jnp.take(type_table, segment_ids, axis=0)            # [B, L, dim] gather
    x = words + pos + typ
    mean = jnp.mean(x, axis=-1, keepdims=True)
    var = jnp.mean(jnp.square(x - mean), axis=-1, keepdims=True)
    x = (x - mean) / jnp.sqrt(var + EPS)
    x = x * gamma + beta
    # dropout: identity in eval mode
    return x

if __name__ == "__main__":
    import jax
    _d = setup_inputs()
    print(jax.jit(kernel)(*tuple(_d.values())))

</pallas_src>

<mosaic_0001>
#map = affine_map<(d0, d1) -> (0, 0)>
module attributes {stable_mosaic.version = 14 : i64} {
  func.func @k(%arg0: i32, %arg1: i32, %arg2: memref<64001x128xf32, #tpu.memory_space<hbm>>, %arg3: memref<6400x128xi32, #tpu.memory_space<hbm>>, %arg4: memref<819200x128xf32, #tpu.memory_space<hbm>>, %arg5: memref<2x2x128xi32, #tpu.memory_space<vmem>>, %arg6: memref<2x256x128xf32, #tpu.memory_space<vmem>>, %arg7: memref<!tpu.dma_semaphore, #tpu.memory_space<semaphore_mem>>, %arg8: memref<!tpu.dma_semaphore, #tpu.memory_space<semaphore_mem>>, %arg9: memref<!tpu.dma_semaphore, #tpu.memory_space<semaphore_mem>>, %arg10: memref<!tpu.dma_semaphore, #tpu.memory_space<semaphore_mem>>) attributes {dimension_semantics = [#tpu.dimension_semantics<core_parallel>, #tpu.dimension_semantics<subcore_parallel>], iteration_bounds = array<i64: 2, 16>, scalar_prefetch = 0 : i64, scratch_operands = 6 : i64, tpu.core_type = #tpu.core_type<sc_vector_subcore>, window_params = [{transform_indices = #map}, {transform_indices = #map}, {transform_indices = #map}]} {
    %mul3A = arith.constant 2 : i32
    %mul3A_0 = arith.muli %arg1, %mul3A : i32
    %add3A = arith.addi %mul3A_0, %arg0 : i32
    %mul3A_1 = arith.constant 200 : i32
    %mul3A_2 = arith.muli %add3A, %mul3A_1 : i32
    %add3A_3 = arith.constant 0 : i32
    %add3A_4 = arith.addi %mul3A_2, %add3A_3 : i32
    %run_scoped3A = arith.constant 0 : i32
    "tpu.region"() ({
      %run_scoped3A_63 = tpu.sem_alloc : memref<!tpu.dma_semaphore, #tpu.memory_space<semaphore_mem>>
      %dma_start3A_64 = arith.constant 0 : i32
      %dma_start3A_65 = arith.constant 0 : i32
      %dma_start3A_66 = tpu.memref_slice %arg5[%run_scoped3A, %dma_start3A_64, %dma_start3A_65] : memref<2x2x128xi32, #tpu.memory_space<vmem>> -> memref<1x2x128xi32, #tpu.memory_space<vmem>>
      %dma_start3A_67 = tpu.memref_squeeze %dma_start3A_66 : memref<1x2x128xi32, #tpu.memory_space<vmem>> -> memref<2x128xi32, #tpu.memory_space<vmem>>
      %dma_start3A_68 = arith.constant 0 : i32
      %dma_start3A_69 = tpu.memref_slice %arg3[%add3A_4, %dma_start3A_68] : memref<6400x128xi32, #tpu.memory_space<hbm>> -> memref<2x128xi32, #tpu.memory_space<hbm>>
      %dma_start3A_70 = arith.constant 0 : i32
      %dma_start3A_71 = arith.constant 0 : i32
      %dma_start3A_72 = tpu.memref_slice %arg5[%run_scoped3A, %dma_start3A_70, %dma_start3A_71] : memref<2x2x128xi32, #tpu.memory_space<vmem>> -> memref<1x2x128xi32, #tpu.memory_space<vmem>>
      %dma_start3A_73 = tpu.memref_squeeze %dma_start3A_72 : memref<1x2x128xi32, #tpu.memory_space<vmem>> -> memref<2x128xi32, #tpu.memory_space<vmem>>
      %dma_start3A_74 = arith.constant 0 : i32
      %dma_start3A_75 = tpu.memref_slice %arg3[%add3A_4, %dma_start3A_74] : memref<6400x128xi32, #tpu.memory_space<hbm>> -> memref<2x128xi32, #tpu.memory_space<hbm>>
      tpu.enqueue_dma source(%dma_start3A_75 : memref<2x128xi32, #tpu.memory_space<hbm>>) target(%dma_start3A_73 : memref<2x128xi32, #tpu.memory_space<vmem>>) target_semaphore(%run_scoped3A_63 : memref<!tpu.dma_semaphore, #tpu.memory_space<semaphore_mem>>)
      %dma_wait3A_76 = arith.constant 0 : i32
      %dma_wait3A_77 = arith.constant 0 : i32
      %dma_wait3A_78 = tpu.memref_slice %arg5[%run_scoped3A, %dma_wait3A_76, %dma_wait3A_77] : memref<2x2x128xi32, #tpu.memory_space<vmem>> -> memref<1x2x128xi32, #tpu.memory_space<vmem>>
      %dma_wait3A_79 = tpu.memref_squeeze %dma_wait3A_78 : memref<1x2x128xi32, #tpu.memory_space<vmem>> -> memref<2x128xi32, #tpu.memory_space<vmem>>
      %dma_wait3A_80 = arith.constant 0 : i32
      %dma_wait3A_81 = tpu.memref_slice %arg3[%add3A_4, %dma_wait3A_80] : memref<6400x128xi32, #tpu.memory_space<hbm>> -> memref<2x128xi32, #tpu.memory_space<hbm>>
      %dma_wait3A_82 = arith.constant 0 : i32
      %dma_wait3A_83 = arith.constant 0 : i32
      %dma_wait3A_84 = tpu.memref_slice %arg5[%run_scoped3A, %dma_wait3A_82, %dma_wait3A_83] : memref<2x2x128xi32, #tpu.memory_space<vmem>> -> memref<1x2x128xi32, #tpu.memory_space<vmem>>
      %dma_wait3A_85 = tpu.memref_squeeze %dma_wait3A_84 : memref<1x2x128xi32, #tpu.memory_space<vmem>> -> memref<2x128xi32, #tpu.memory_space<vmem>>
      %dma_wait3A_86 = arith.constant 0 : i32
      %dma_wait3A_87 = tpu.memref_slice %arg3[%add3A_4, %dma_wait3A_86] : memref<6400x128xi32, #tpu.memory_space<hbm>> -> memref<2x128xi32, #tpu.memory_space<hbm>>
      tpu.wait_dma2 semaphore(%run_scoped3A_63 : memref<!tpu.dma_semaphore, #tpu.memory_space<semaphore_mem>>) src(%dma_wait3A_87 : memref<2x128xi32, #tpu.memory_space<hbm>>) dst(%dma_wait3A_85 : memref<2x128xi32, #tpu.memory_space<vmem>>)
      tpu.yield
    }) : () -> ()
    %dma_start3A = arith.constant 0 : i32
    %dma_start3A_5 = arith.constant 0 : i32
    %dma_start3A_6 = arith.constant 0 : i32
    %dma_start3A_7 = arith.constant 0 : i32
    %dma_start3A_8 = arith.constant 0 : i32
    %dma_start3A_9 = tpu.memref_slice %arg6[%dma_start3A_6, %dma_start3A_7, %dma_start3A_8] : memref<2x256x128xf32, #tpu.memory_space<vmem>> -> memref<1x256x128xf32, #tpu.memory_space<vmem>>
    %dma_start3A_10 = tpu.memref_squeeze %dma_start3A_9 : memref<1x256x128xf32, #tpu.memory_space<vmem>> -> memref<256x128xf32, #tpu.memory_space<vmem>>
    %dma_start3A_11 = arith.constant 0 : i32
    %dma_start3A_12 = arith.constant 0 : i32
    %dma_start3A_13 = tpu.memref_slice %dma_start3A_10[%dma_start3A_11, %dma_start3A_12] : memref<256x128xf32, #tpu.memory_space<vmem>> -> memref<128x128xf32, #tpu.memory_space<vmem>>
    %dma_start3A_14 = arith.constant 0 : i32
    %dma_start3A_15 = arith.constant 0 : i32
    %dma_start3A_16 = tpu.memref_slice %arg5[%dma_start3A, %dma_start3A_14, %dma_start3A_15] : memref<2x2x128xi32, #tpu.memory_space<vmem>> -> memref<1x2x128xi32, #tpu.memory_space<vmem>>
    %dma_start3A_17 = tpu.memref_squeeze %dma_start3A_16 : memref<1x2x128xi32, #tpu.memory_space<vmem>> -> memref<2x128xi32, #tpu.memory_space<vmem>>
    %dma_start3A_18 = arith.constant 0 : i32
    %dma_start3A_19 = tpu.memref_slice %dma_start3A_17[%dma_start3A_5, %dma_start3A_18] : memref<2x128xi32, #tpu.memory_space<vmem>> -> memref<1x128xi32, #tpu.memory_space<vmem>>
    %dma_start3A_20 = tpu.memref_squeeze %dma_start3A_19 : memref<1x128xi32, #tpu.memory_space<vmem>> -> memref<128xi32, #tpu.memory_space<vmem>>
    %dma_start3A_21 = arith.constant 0 : i32
    %dma_start3A_22 = arith.constant 0 : i32
    %dma_start3A_23 = tpu.memref_slice %arg2[%dma_start3A_21, %dma_start3A_22] : memref<64001x128xf32, #tpu.memory_space<hbm>> -> memref<64001x128xf32, #tpu.memory_space<hbm>>
    tpu.enqueue_indirect_dma source(%dma_start3A_23 : memref<64001x128xf32, #tpu.memory_space<hbm>>) target(%dma_start3A_13 : memref<128x128xf32, #tpu.memory_space<vmem>>) offsets(%dma_start3A_20 : memref<128xi32, #tpu.memory_space<vmem>>) semaphore(%arg7 : memref<!tpu.dma_semaphore, #tpu.memory_space<semaphore_mem>>)
    %dma_start3A_24 = arith.constant 0 : i32
    %dma_start3A_25 = arith.constant 1 : i32
    %dma_start3A_26 = arith.constant 0 : i32
    %dma_start3A_27 = arith.constant 0 : i32
    %dma_start3A_28 = arith.constant 0 : i32
    %dma_start3A_29 = tpu.memref_slice %arg6[%dma_start3A_26, %dma_start3A_27, %dma_start3A_28] : memref<2x256x128xf32, #tpu.memory_space<vmem>> -> memref<1x256x128xf32, #tpu.memory_space<vmem>>
    %dma_start3A_30 = tpu.memref_squeeze %dma_start3A_29 : memref<1x256x128xf32, #tpu.memory_space<vmem>> -> memref<256x128xf32, #tpu.memory_space<vmem>>
    %dma_start3A_31 = arith.constant 128 : i32
    %dma_start3A_32 = arith.constant 0 : i32
    %dma_start3A_33 = tpu.memref_slice %dma_start3A_30[%dma_start3A_31, %dma_start3A_32] : memref<256x128xf32, #tpu.memory_space<vmem>> -> memref<128x128xf32, #tpu.memory_space<vmem>>
    %dma_start3A_34 = arith.constant 0 : i32
    %dma_start3A_35 = arith.constant 0 : i32
    %dma_start3A_36 = tpu.memref_slice %arg5[%dma_start3A_24, %dma_start3A_34, %dma_start3A_35] : memref<2x2x128xi32, #tpu.memory_space<vmem>> -> memref<1x2x128xi32, #tpu.memory_space<vmem>>
    %dma_start3A_37 = tpu.memref_squeeze %dma_start3A_36 : memref<1x2x128xi32, #tpu.memory_space<vmem>> -> memref<2x128xi32, #tpu.memory_space<vmem>>
    %dma_start3A_38 = arith.constant 0 : i32
    %dma_start3A_39 = tpu.memref_slice %dma_start3A_37[%dma_start3A_25, %dma_start3A_38] : memref<2x128xi32, #tpu.memory_space<vmem>> -> memref<1x128xi32, #tpu.memory_space<vmem>>
    %dma_start3A_40 = tpu.memref_squeeze %dma_start3A_39 : memref<1x128xi32, #tpu.memory_space<vmem>> -> memref<128xi32, #tpu.memory_space<vmem>>
    %dma_start3A_41 = arith.constant 0 : i32
    %dma_start3A_42 = arith.constant 0 : i32
    %dma_start3A_43 = tpu.memref_slice %arg2[%dma_start3A_41, %dma_start3A_42] : memref<64001x128xf32, #tpu.memory_space<hbm>> -> memref<64001x128xf32, #tpu.memory_space<hbm>>
    tpu.enqueue_indirect_dma source(%dma_start3A_43 : memref<64001x128xf32, #tpu.memory_space<hbm>>) target(%dma_start3A_33 : memref<128x128xf32, #tpu.memory_space<vmem>>) offsets(%dma_start3A_40 : memref<128xi32, #tpu.memory_space<vmem>>) semaphore(%arg7 : memref<!tpu.dma_semaphore, #tpu.memory_space<semaphore_mem>>)
    %scan3A = arith.constant 0 : i32
    %scan3A_44 = arith.constant 0 : i32
    %scan3A_45 = arith.constant 50 : i32
    %scan3A_46 = arith.addi %scan3A_44, %scan3A_45 : i32
    %scan3A_47 = arith.constant 1 : i32
    scf.for %scan3A_63 = %scan3A_44 to %scan3A_46 step %scan3A_47  : i32 {
      %mul3A_64 = arith.constant 2 : i32
      %mul3A_65 = arith.muli %mul3A_64, %scan3A_63 : i32
      %ge3A = arith.constant 1 : i32
      %ge3A_66 = arith.cmpi sge, %scan3A_63, %ge3A : i32
      %convert_element_type3A = arith.extui %ge3A_66 : i1 to i32
      %cond3A = arith.constant 0 : i32
      %cond3A_67 = arith.cmpi ne, %convert_element_type3A, %cond3A : i32
      scf.if %cond3A_67 {
        %dma_wait3A_255 = arith.constant 1 : i32
        %dma_wait3A_256 = arith.constant 0 : i32
        %dma_wait3A_257 = arith.constant 0 : i32
        %dma_wait3A_258 = tpu.memref_slice %arg6[%dma_wait3A_255, %dma_wait3A_256, %dma_wait3A_257] : memref<2x256x128xf32, #tpu.memory_space<vmem>> -> memref<1x256x128xf32, #tpu.memory_space<vmem>>
        %dma_wait3A_259 = tpu.memref_squeeze %dma_wait3A_258 : memref<1x256x128xf32, #tpu.memory_space<vmem>> -> memref<256x128xf32, #tpu.memory_space<vmem>>
        %dma_wait3A_260 = arith.constant 0 : i32
        %dma_wait3A_261 = arith.constant 0 : i32
        %dma_wait3A_262 = tpu.memref_slice %arg4[%dma_wait3A_260, %dma_wait3A_261] : memref<819200x128xf32, #tpu.memory_space<hbm>> -> memref<256x128xf32, #tpu.memory_space<hbm>>
        %dma_wait3A_263 = arith.constant 0 : i32
        %dma_wait3A_264 = arith.constant 0 : i32
        %dma_wait3A_265 = tpu.memref_slice %arg4[%dma_wait3A_263, %dma_wait3A_264] : memref<819200x128xf32, #tpu.memory_space<hbm>> -> memref<256x128xf32, #tpu.memory_space<hbm>>
        %dma_wait3A_266 = arith.constant 0 : i32
        %dma_wait3A_267 = arith.constant 0 : i32
        %dma_wait3A_268 = tpu.memref_slice %arg6[%dma_wait3A_255, %dma_wait3A_266, %dma_wait3A_267] : memref<2x256x128xf32, #tpu.memory_space<vmem>> -> memref<1x256x128xf32, #tpu.memory_space<vmem>>
        %dma_wait3A_269 = tpu.memref_squeeze %dma_wait3A_268 : memref<1x256x128xf32, #tpu.memory_space<vmem>> -> memref<256x128xf32, #tpu.memory_space<vmem>>
        tpu.wait_dma2 semaphore(%arg10 : memref<!tpu.dma_semaphore, #tpu.memory_space<semaphore_mem>>) src(%dma_wait3A_269 : memref<256x128xf32, #tpu.memory_space<vmem>>) dst(%dma_wait3A_265 : memref<256x128xf32, #tpu.memory_space<hbm>>)
      } else {
      }
      %add3A_68 = arith.constant 1 : i32
      %add3A_69 = arith.addi %mul3A_65, %add3A_68 : i32
      %mul3A_70 = arith.constant 200 : i32
      %mul3A_71 = arith.muli %add3A, %mul3A_70 : i32
      %mul3A_72 = arith.constant 2 : i32
      %mul3A_73 = arith.muli %add3A_69, %mul3A_72 : i32
      %add3A_74 = arith.addi %mul3A_71, %mul3A_73 : i32
      %run_scoped3A_75 = arith.constant 1 : i32
      "tpu.region"() ({
        %run_scoped3A_255 = tpu.sem_alloc : memref<!tpu.dma_semaphore, #tpu.memory_space<semaphore_mem>>
        %dma_start3A_256 = arith.constant 0 : i32
        %dma_start3A_257 = arith.constant 0 : i32
        %dma_start3A_258 = tpu.memref_slice %arg5[%run_scoped3A_75, %dma_start3A_256, %dma_start3A_257] : memref<2x2x128xi32, #tpu.memory_space<vmem>> -> memref<1x2x128xi32, #tpu.memory_space<vmem>>
        %dma_start3A_259 = tpu.memref_squeeze %dma_start3A_258 : memref<1x2x128xi32, #tpu.memory_space<vmem>> -> memref<2x128xi32, #tpu.memory_space<vmem>>
        %dma_start3A_260 = arith.constant 0 : i32
        %dma_start3A_261 = tpu.memref_slice %arg3[%add3A_74, %dma_start3A_260] : memref<6400x128xi32, #tpu.memory_space<hbm>> -> memref<2x128xi32, #tpu.memory_space<hbm>>
        %dma_start3A_262 = arith.constant 0 : i32
        %dma_start3A_263 = arith.constant 0 : i32
        %dma_start3A_264 = tpu.memref_slice %arg5[%run_scoped3A_75, %dma_start3A_262, %dma_start3A_263] : memref<2x2x128xi32, #tpu.memory_space<vmem>> -> memref<1x2x128xi32, #tpu.memory_space<vmem>>
        %dma_start3A_265 = tpu.memref_squeeze %dma_start3A_264 : memref<1x2x128xi32, #tpu.memory_space<vmem>> -> memref<2x128xi32, #tpu.memory_space<vmem>>
        %dma_start3A_266 = arith.constant 0 : i32
        %dma_start3A_267 = tpu.memref_slice %arg3[%add3A_74, %dma_start3A_266] : memref<6400x128xi32, #tpu.memory_space<hbm>> -> memref<2x128xi32, #tpu.memory_space<hbm>>
        tpu.enqueue_dma source(%dma_start3A_267 : memref<2x128xi32, #tpu.memory_space<hbm>>) target(%dma_start3A_265 : memref<2x128xi32, #tpu.memory_space<vmem>>) target_semaphore(%run_scoped3A_255 : memref<!tpu.dma_semaphore, #tpu.memory_space<semaphore_mem>>)
        %dma_wait3A_268 = arith.constant 0 : i32
        %dma_wait3A_269 = arith.constant 0 : i32
        %dma_wait3A_270 = tpu.memref_slice %arg5[%run_scoped3A_75, %dma_wait3A_268, %dma_wait3A_269] : memref<2x2x128xi32, #tpu.memory_space<vmem>> -> memref<1x2x128xi32, #tpu.memory_space<vmem>>
        %dma_wait3A_271 = tpu.memref_squeeze %dma_wait3A_270 : memref<1x2x128xi32, #tpu.memory_space<vmem>> -> memref<2x128xi32, #tpu.memory_space<vmem>>
        %dma_wait3A_272 = arith.constant 0 : i32
        %dma_wait3A_273 = tpu.memref_slice %arg3[%add3A_74, %dma_wait3A_272] : memref<6400x128xi32, #tpu.memory_space<hbm>> -> memref<2x128xi32, #tpu.memory_space<hbm>>
        %dma_wait3A_274 = arith.constant 0 : i32
        %dma_wait3A_275 = arith.constant 0 : i32
        %dma_wait3A_276 = tpu.memref_slice %arg5[%run_scoped3A_75, %dma_wait3A_274, %dma_wait3A_275] : memref<2x2x128xi32, #tpu.memory_space<vmem>> -> memref<1x2x128xi32, #tpu.memory_space<vmem>>
        %dma_wait3A_277 = tpu.memref_squeeze %dma_wait3A_276 : memref<1x2x128xi32, #tpu.memory_space<vmem>> -> memref<2x128xi32, #tpu.memory_space<vmem>>
        %dma_wait3A_278 = arith.constant 0 : i32
        %dma_wait3A_279 = tpu.memref_slice %arg3[%add3A_74, %dma_wait3A_278] : memref<6400x128xi32, #tpu.memory_space<hbm>> -> memref<2x128xi32, #tpu.memory_space<hbm>>
        tpu.wait_dma2 semaphore(%run_scoped3A_255 : memref<!tpu.dma_semaphore, #tpu.memory_space<semaphore_mem>>) src(%dma_wait3A_279 : memref<2x128xi32, #tpu.memory_space<hbm>>) dst(%dma_wait3A_277 : memref<2x128xi32, #tpu.memory_space<vmem>>)
        tpu.yield
      }) : () -> ()
      %dma_start3A_76 = arith.constant 1 : i32
      %dma_start3A_77 = arith.constant 0 : i32
      %dma_start3A_78 = arith.constant 1 : i32
      %dma_start3A_79 = arith.constant 0 : i32
      %dma_start3A_80 = arith.constant 0 : i32
      %dma_start3A_81 = tpu.memref_slice %arg6[%dma_start3A_78, %dma_start3A_79, %dma_start3A_80] : memref<2x256x128xf32, #tpu.memory_space<vmem>> -> memref<1x256x128xf32, #tpu.memory_space<vmem>>
      %dma_start3A_82 = tpu.memref_squeeze %dma_start3A_81 : memref<1x256x128xf32, #tpu.memory_space<vmem>> -> memref<256x128xf32, #tpu.memory_space<vmem>>
      %dma_start3A_83 = arith.constant 0 : i32
      %dma_start3A_84 = arith.constant 0 : i32
      %dma_start3A_85 = tpu.memref_slice %dma_start3A_82[%dma_start3A_83, %dma_start3A_84] : memref<256x128xf32, #tpu.memory_space<vmem>> -> memref<128x128xf32, #tpu.memory_space<vmem>>
      %dma_start3A_86 = arith.constant 0 : i32
      %dma_start3A_87 = arith.constant 0 : i32
      %dma_start3A_88 = tpu.memref_slice %arg5[%dma_start3A_76, %dma_start3A_86, %dma_start3A_87] : memref<2x2x128xi32, #tpu.memory_space<vmem>> -> memref<1x2x128xi32, #tpu.memory_space<vmem>>
      %dma_start3A_89 = tpu.memref_squeeze %dma_start3A_88 : memref<1x2x128xi32, #tpu.memory_space<vmem>> -> memref<2x128xi32, #tpu.memory_space<vmem>>
      %dma_start3A_90 = arith.constant 0 : i32
      %dma_start3A_91 = tpu.memref_slice %dma_start3A_89[%dma_start3A_77, %dma_start3A_90] : memref<2x128xi32, #tpu.memory_space<vmem>> -> memref<1x128xi32, #tpu.memory_space<vmem>>
      %dma_start3A_92 = tpu.memref_squeeze %dma_start3A_91 : memref<1x128xi32, #tpu.memory_space<vmem>> -> memref<128xi32, #tpu.memory_space<vmem>>
      %dma_start3A_93 = arith.constant 0 : i32
      %dma_start3A_94 = arith.constant 0 : i32
      %dma_start3A_95 = tpu.memref_slice %arg2[%dma_start3A_93, %dma_start3A_94] : memref<64001x128xf32, #tpu.memory_space<hbm>> -> memref<64001x128xf32, #tpu.memory_space<hbm>>
      tpu.enqueue_indirect_dma source(%dma_start3A_95 : memref<64001x128xf32, #tpu.memory_space<hbm>>) target(%dma_start3A_85 : memref<128x128xf32, #tpu.memory_space<vmem>>) offsets(%dma_start3A_92 : memref<128xi32, #tpu.memory_space<vmem>>) semaphore(%arg8 : memref<!tpu.dma_semaphore, #tpu.memory_space<semaphore_mem>>)
      %dma_start3A_96 = arith.constant 1 : i32
      %dma_start3A_97 = arith.constant 1 : i32
      %dma_start3A_98 = arith.constant 1 : i32
      %dma_start3A_99 = arith.constant 0 : i32
      %dma_start3A_100 = arith.constant 0 : i32
      %dma_start3A_101 = tpu.memref_slice %arg6[%dma_start3A_98, %dma_start3A_99, %dma_start3A_100] : memref<2x256x128xf32, #tpu.memory_space<vmem>> -> memref<1x256x128xf32, #tpu.memory_space<vmem>>
      %dma_start3A_102 = tpu.memref_squeeze %dma_start3A_101 : memref<1x256x128xf32, #tpu.memory_space<vmem>> -> memref<256x128xf32, #tpu.memory_space<vmem>>
      %dma_start3A_103 = arith.constant 128 : i32
      %dma_start3A_104 = arith.constant 0 : i32
      %dma_start3A_105 = tpu.memref_slice %dma_start3A_102[%dma_start3A_103, %dma_start3A_104] : memref<256x128xf32, #tpu.memory_space<vmem>> -> memref<128x128xf32, #tpu.memory_space<vmem>>
      %dma_start3A_106 = arith.constant 0 : i32
      %dma_start3A_107 = arith.constant 0 : i32
      %dma_start3A_108 = tpu.memref_slice %arg5[%dma_start3A_96, %dma_start3A_106, %dma_start3A_107] : memref<2x2x128xi32, #tpu.memory_space<vmem>> -> memref<1x2x128xi32, #tpu.memory_space<vmem>>
      %dma_start3A_109 = tpu.memref_squeeze %dma_start3A_108 : memref<1x2x128xi32, #tpu.memory_space<vmem>> -> memref<2x128xi32, #tpu.memory_space<vmem>>
      %dma_start3A_110 = arith.constant 0 : i32
      %dma_start3A_111 = tpu.memref_slice %dma_start3A_109[%dma_start3A_97, %dma_start3A_110] : memref<2x128xi32, #tpu.memory_space<vmem>> -> memref<1x128xi32, #tpu.memory_space<vmem>>
      %dma_start3A_112 = tpu.memref_squeeze %dma_start3A_111 : memref<1x128xi32, #tpu.memory_space<vmem>> -> memref<128xi32, #tpu.memory_space<vmem>>
      %dma_start3A_113 = arith.constant 0 : i32
      %dma_start3A_114 = arith.constant 0 : i32
      %dma_start3A_115 = tpu.memref_slice %arg2[%dma_start3A_113, %dma_start3A_114] : memref<64001x128xf32, #tpu.memory_space<hbm>> -> memref<64001x128xf32, #tpu.memory_space<hbm>>
      tpu.enqueue_indirect_dma source(%dma_start3A_115 : memref<64001x128xf32, #tpu.memory_space<hbm>>) target(%dma_start3A_105 : memref<128x128xf32, #tpu.memory_space<vmem>>) offsets(%dma_start3A_112 : memref<128xi32, #tpu.memory_space<vmem>>) semaphore(%arg8 : memref<!tpu.dma_semaphore, #tpu.memory_space<semaphore_mem>>)
      %dma_wait3A_116 = arith.constant 0 : i32
      %dma_wait3A_117 = arith.constant 0 : i32
      %dma_wait3A_118 = arith.constant 0 : i32
      %dma_wait3A_119 = arith.constant 0 : i32
      %dma_wait3A_120 = arith.constant 0 : i32
      %dma_wait3A_121 = tpu.memref_slice %arg6[%dma_wait3A_118, %dma_wait3A_119, %dma_wait3A_120] : memref<2x256x128xf32, #tpu.memory_space<vmem>> -> memref<1x256x128xf32, #tpu.memory_space<vmem>>
      %dma_wait3A_122 = tpu.memref_squeeze %dma_wait3A_121 : memref<1x256x128xf32, #tpu.memory_space<vmem>> -> memref<256x128xf32, #tpu.memory_space<vmem>>
      %dma_wait3A_123 = arith.constant 0 : i32
      %dma_wait3A_124 = arith.constant 0 : i32
      %dma_wait3A_125 = tpu.memref_slice %dma_wait3A_122[%dma_wait3A_123, %dma_wait3A_124] : memref<256x128xf32, #tpu.memory_space<vmem>> -> memref<128x128xf32, #tpu.memory_space<vmem>>
      %dma_wait3A_126 = arith.constant 0 : i32
      %dma_wait3A_127 = arith.constant 0 : i32
      %dma_wait3A_128 = tpu.memref_slice %arg5[%dma_wait3A_116, %dma_wait3A_126, %dma_wait3A_127] : memref<2x2x128xi32, #tpu.memory_space<vmem>> -> memref<1x2x128xi32, #tpu.memory_space<vmem>>
      %dma_wait3A_129 = tpu.memref_squeeze %dma_wait3A_128 : memref<1x2x128xi32, #tpu.memory_space<vmem>> -> memref<2x128xi32, #tpu.memory_space<vmem>>
      %dma_wait3A_130 = arith.constant 0 : i32
      %dma_wait3A_131 = tpu.memref_slice %dma_wait3A_129[%dma_wait3A_117, %dma_wait3A_130] : memref<2x128xi32, #tpu.memory_space<vmem>> -> memref<1x128xi32, #tpu.memory_space<vmem>>
      %dma_wait3A_132 = tpu.memref_squeeze %dma_wait3A_131 : memref<1x128xi32, #tpu.memory_space<vmem>> -> memref<128xi32, #tpu.memory_space<vmem>>
      %dma_wait3A_133 = arith.constant 0 : i32
      %dma_wait3A_134 = arith.constant 0 : i32
      %dma_wait3A_135 = tpu.memref_slice %arg2[%dma_wait3A_133, %dma_wait3A_134] : memref<64001x128xf32, #tpu.memory_space<hbm>> -> memref<64001x128xf32, #tpu.memory_space<hbm>>
      tpu.wait_indirect_dma semaphore(%arg7 : memref<!tpu.dma_semaphore, #tpu.memory_space<semaphore_mem>>) src(%dma_wait3A_135 : memref<64001x128xf32, #tpu.memory_space<hbm>>) dst(%dma_wait3A_125 : memref<128x128xf32, #tpu.memory_space<vmem>>)
      %dma_wait3A_136 = arith.constant 0 : i32
      %dma_wait3A_137 = arith.constant 1 : i32
      %dma_wait3A_138 = arith.constant 0 : i32
      %dma_wait3A_139 = arith.constant 0 : i32
      %dma_wait3A_140 = arith.constant 0 : i32
      %dma_wait3A_141 = tpu.memref_slice %arg6[%dma_wait3A_138, %dma_wait3A_139, %dma_wait3A_140] : memref<2x256x128xf32, #tpu.memory_space<vmem>> -> memref<1x256x128xf32, #tpu.memory_space<vmem>>
      %dma_wait3A_142 = tpu.memref_squeeze %dma_wait3A_141 : memref<1x256x128xf32, #tpu.memory_space<vmem>> -> memref<256x128xf32, #tpu.memory_space<vmem>>
      %dma_wait3A_143 = arith.constant 128 : i32
      %dma_wait3A_144 = arith.constant 0 : i32
      %dma_wait3A_145 = tpu.memref_slice %dma_wait3A_142[%dma_wait3A_143, %dma_wait3A_144] : memref<256x128xf32, #tpu.memory_space<vmem>> -> memref<128x128xf32, #tpu.memory_space<vmem>>
      %dma_wait3A_146 = arith.constant 0 : i32
      %dma_wait3A_147 = arith.constant 0 : i32
      %dma_wait3A_148 = tpu.memref_slice %arg5[%dma_wait3A_136, %dma_wait3A_146, %dma_wait3A_147] : memref<2x2x128xi32, #tpu.memory_space<vmem>> -> memref<1x2x128xi32, #tpu.memory_space<vmem>>
      %dma_wait3A_149 = tpu.memref_squeeze %dma_wait3A_148 : memref<1x2x128xi32, #tpu.memory_space<vmem>> -> memref<2x128xi32, #tpu.memory_space<vmem>>
      %dma_wait3A_150 = arith.constant 0 : i32
      %dma_wait3A_151 = tpu.memref_slice %dma_wait3A_149[%dma_wait3A_137, %dma_wait3A_150] : memref<2x128xi32, #tpu.memory_space<vmem>> -> memref<1x128xi32, #tpu.memory_space<vmem>>
      %dma_wait3A_152 = tpu.memref_squeeze %dma_wait3A_151 : memref<1x128xi32, #tpu.memory_space<vmem>> -> memref<128xi32, #tpu.memory_space<vmem>>
      %dma_wait3A_153 = arith.constant 0 : i32
      %dma_wait3A_154 = arith.constant 0 : i32
      %dma_wait3A_155 = tpu.memref_slice %arg2[%dma_wait3A_153, %dma_wait3A_154] : memref<64001x128xf32, #tpu.memory_space<hbm>> -> memref<64001x128xf32, #tpu.memory_space<hbm>>
      tpu.wait_indirect_dma semaphore(%arg7 : memref<!tpu.dma_semaphore, #tpu.memory_space<semaphore_mem>>) src(%dma_wait3A_155 : memref<64001x128xf32, #tpu.memory_space<hbm>>) dst(%dma_wait3A_145 : memref<128x128xf32, #tpu.memory_space<vmem>>)
      %mul3A_156 = arith.constant 25600 : i32
      %mul3A_157 = arith.muli %add3A, %mul3A_156 : i32
      %mul3A_158 = arith.constant 256 : i32
      %mul3A_159 = arith.muli %mul3A_65, %mul3A_158 : i32
      %add3A_160 = arith.addi %mul3A_157, %mul3A_159 : i32
      %dma_start3A_161 = arith.constant 0 : i32
      %dma_start3A_162 = arith.constant 0 : i32
      %dma_start3A_163 = arith.constant 0 : i32
      %dma_start3A_164 = tpu.memref_slice %arg6[%dma_start3A_161, %dma_start3A_162, %dma_start3A_163] : memref<2x256x128xf32, #tpu.memory_space<vmem>> -> memref<1x256x128xf32, #tpu.memory_space<vmem>>
      %dma_start3A_165 = tpu.memref_squeeze %dma_start3A_164 : memref<1x256x128xf32, #tpu.memory_space<vmem>> -> memref<256x128xf32, #tpu.memory_space<vmem>>
      %dma_start3A_166 = arith.constant 0 : i32
      %dma_start3A_167 = tpu.memref_slice %arg4[%add3A_160, %dma_start3A_166] : memref<819200x128xf32, #tpu.memory_space<hbm>> -> memref<256x128xf32, #tpu.memory_space<hbm>>
      %dma_start3A_168 = arith.constant 0 : i32
      %dma_start3A_169 = tpu.memref_slice %arg4[%add3A_160, %dma_start3A_168] : memref<819200x128xf32, #tpu.memory_space<hbm>> -> memref<256x128xf32, #tpu.memory_space<hbm>>
      %dma_start3A_170 = arith.constant 0 : i32
      %dma_start3A_171 = arith.constant 0 : i32
      %dma_start3A_172 = tpu.memref_slice %arg6[%dma_start3A_161, %dma_start3A_170, %dma_start3A_171] : memref<2x256x128xf32, #tpu.memory_space<vmem>> -> memref<1x256x128xf32, #tpu.memory_space<vmem>>
      %dma_start3A_173 = tpu.memref_squeeze %dma_start3A_172 : memref<1x256x128xf32, #tpu.memory_space<vmem>> -> memref<256x128xf32, #tpu.memory_space<vmem>>
      tpu.enqueue_dma source(%dma_start3A_173 : memref<256x128xf32, #tpu.memory_space<vmem>>) target(%dma_start3A_169 : memref<256x128xf32, #tpu.memory_space<hbm>>) target_semaphore(%arg9 : memref<!tpu.dma_semaphore, #tpu.memory_space<semaphore_mem>>)
      %dma_wait3A_174 = arith.constant 0 : i32
      %dma_wait3A_175 = arith.constant 0 : i32
      %dma_wait3A_176 = arith.constant 0 : i32
      %dma_wait3A_177 = tpu.memref_slice %arg6[%dma_wait3A_174, %dma_wait3A_175, %dma_wait3A_176] : memref<2x256x128xf32, #tpu.memory_space<vmem>> -> memref<1x256x128xf32, #tpu.memory_space<vmem>>
      %dma_wait3A_178 = tpu.memref_squeeze %dma_wait3A_177 : memref<1x256x128xf32, #tpu.memory_space<vmem>> -> memref<256x128xf32, #tpu.memory_space<vmem>>
      %dma_wait3A_179 = arith.constant 0 : i32
      %dma_wait3A_180 = arith.constant 0 : i32
      %dma_wait3A_181 = tpu.memref_slice %arg4[%dma_wait3A_179, %dma_wait3A_180] : memref<819200x128xf32, #tpu.memory_space<hbm>> -> memref<256x128xf32, #tpu.memory_space<hbm>>
      %dma_wait3A_182 = arith.constant 0 : i32
      %dma_wait3A_183 = arith.constant 0 : i32
      %dma_wait3A_184 = tpu.memref_slice %arg4[%dma_wait3A_182, %dma_wait3A_183] : memref<819200x128xf32, #tpu.memory_space<hbm>> -> memref<256x128xf32, #tpu.memory_space<hbm>>
      %dma_wait3A_185 = arith.constant 0 : i32
      %dma_wait3A_186 = arith.constant 0 : i32
      %dma_wait3A_187 = tpu.memref_slice %arg6[%dma_wait3A_174, %dma_wait3A_185, %dma_wait3A_186] : memref<2x256x128xf32, #tpu.memory_space<vmem>> -> memref<1x256x128xf32, #tpu.memory_space<vmem>>
      %dma_wait3A_188 = tpu.memref_squeeze %dma_wait3A_187 : memref<1x256x128xf32, #tpu.memory_space<vmem>> -> memref<256x128xf32, #tpu.memory_space<vmem>>
      tpu.wait_dma2 semaphore(%arg9 : memref<!tpu.dma_semaphore, #tpu.memory_space<semaphore_mem>>) src(%dma_wait3A_188 : memref<256x128xf32, #tpu.memory_space<vmem>>) dst(%dma_wait3A_184 : memref<256x128xf32, #tpu.memory_space<hbm>>)
      %add3A_189 = arith.constant 2 : i32
      %add3A_190 = arith.addi %mul3A_65, %add3A_189 : i32
      %lt3A = arith.constant 100 : i32
      %lt3A_191 = arith.cmpi slt, %add3A_190, %lt3A : i32
      %convert_element_type3A_192 = arith.extui %lt3A_191 : i1 to i32
      %cond3A_193 = arith.constant 0 : i32
      %cond3A_194 = arith.cmpi ne, %convert_element_type3A_192, %cond3A_193 : i32
      scf.if %cond3A_194 {
        %add3A_255 = arith.constant 2 : i32
        %add3A_256 = arith.addi %mul3A_65, %add3A_255 : i32
        %mul3A_257 = arith.constant 200 : i32
        %mul3A_258 = arith.muli %add3A, %mul3A_257 : i32
        %mul3A_259 = arith.constant 2 : i32
        %mul3A_260 = arith.muli %add3A_256, %mul3A_259 : i32
        %add3A_261 = arith.addi %mul3A_258, %mul3A_260 : i32
        %run_scoped3A_262 = arith.constant 0 : i32
        "tpu.region"() ({
          %run_scoped3A_303 = tpu.sem_alloc : memref<!tpu.dma_semaphore, #tpu.memory_space<semaphore_mem>>
          %dma_start3A_304 = arith.constant 0 : i32
          %dma_start3A_305 = arith.constant 0 : i32
          %dma_start3A_306 = tpu.memref_slice %arg5[%run_scoped3A_262, %dma_start3A_304, %dma_start3A_305] : memref<2x2x128xi32, #tpu.memory_space<vmem>> -> memref<1x2x128xi32, #tpu.memory_space<vmem>>
          %dma_start3A_307 = tpu.memref_squeeze %dma_start3A_306 : memref<1x2x128xi32, #tpu.memory_space<vmem>> -> memref<2x128xi32, #tpu.memory_space<vmem>>
          %dma_start3A_308 = arith.constant 0 : i32
          %dma_start3A_309 = tpu.memref_slice %arg3[%add3A_261, %dma_start3A_308] : memref<6400x128xi32, #tpu.memory_space<hbm>> -> memref<2x128xi32, #tpu.memory_space<hbm>>
          %dma_start3A_310 = arith.constant 0 : i32
          %dma_start3A_311 = arith.constant 0 : i32
          %dma_start3A_312 = tpu.memref_slice %arg5[%run_scoped3A_262, %dma_start3A_310, %dma_start3A_311] : memref<2x2x128xi32, #tpu.memory_space<vmem>> -> memref<1x2x128xi32, #tpu.memory_space<vmem>>
          %dma_start3A_313 = tpu.memref_squeeze %dma_start3A_312 : memref<1x2x128xi32, #tpu.memory_space<vmem>> -> memref<2x128xi32, #tpu.memory_space<vmem>>
          %dma_start3A_314 = arith.constant 0 : i32
          %dma_start3A_315 = tpu.memref_slice %arg3[%add3A_261, %dma_start3A_314] : memref<6400x128xi32, #tpu.memory_space<hbm>> -> memref<2x128xi32, #tpu.memory_space<hbm>>
          tpu.enqueue_dma source(%dma_start3A_315 : memref<2x128xi32, #tpu.memory_space<hbm>>) target(%dma_start3A_313 : memref<2x128xi32, #tpu.memory_space<vmem>>) target_semaphore(%run_scoped3A_303 : memref<!tpu.dma_semaphore, #tpu.memory_space<semaphore_mem>>)
          %dma_wait3A_316 = arith.constant 0 : i32
          %dma_wait3A_317 = arith.constant 0 : i32
          %dma_wait3A_318 = tpu.memref_slice %arg5[%run_scoped3A_262, %dma_wait3A_316, %dma_wait3A_317] : memref<2x2x128xi32, #tpu.memory_space<vmem>> -> memref<1x2x128xi32, #tpu.memory_space<vmem>>
          %dma_wait3A_319 = tpu.memref_squeeze %dma_wait3A_318 : memref<1x2x128xi32, #tpu.memory_space<vmem>> -> memref<2x128xi32, #tpu.memory_space<vmem>>
          %dma_wait3A_320 = arith.constant 0 : i32
          %dma_wait3A_321 = tpu.memref_slice %arg3[%add3A_261, %dma_wait3A_320] : memref<6400x128xi32, #tpu.memory_space<hbm>> -> memref<2x128xi32, #tpu.memory_space<hbm>>
          %dma_wait3A_322 = arith.constant 0 : i32
          %dma_wait3A_323 = arith.constant 0 : i32
          %dma_wait3A_324 = tpu.memref_slice %arg5[%run_scoped3A_262, %dma_wait3A_322, %dma_wait3A_323] : memref<2x2x128xi32, #tpu.memory_space<vmem>> -> memref<1x2x128xi32, #tpu.memory_space<vmem>>
          %dma_wait3A_325 = tpu.memref_squeeze %dma_wait3A_324 : memref<1x2x128xi32, #tpu.memory_space<vmem>> -> memref<2x128xi32, #tpu.memory_space<vmem>>
          %dma_wait3A_326 = arith.constant 0 : i32
          %dma_wait3A_327 = tpu.memref_slice %arg3[%add3A_261, %dma_wait3A_326] : memref<6400x128xi32, #tpu.memory_space<hbm>> -> memref<2x128xi32, #tpu.memory_space<hbm>>
          tpu.wait_dma2 semaphore(%run_scoped3A_303 : memref<!tpu.dma_semaphore, #tpu.memory_space<semaphore_mem>>) src(%dma_wait3A_327 : memref<2x128xi32, #tpu.memory_space<hbm>>) dst(%dma_wait3A_325 : memref<2x128xi32, #tpu.memory_space<vmem>>)
          tpu.yield
        }) : () -> ()
        %dma_start3A_263 = arith.constant 0 : i32
        %dma_start3A_264 = arith.constant 0 : i32
        %dma_start3A_265 = arith.constant 0 : i32
        %dma_start3A_266 = arith.constant 0 : i32
        %dma_start3A_267 = arith.constant 0 : i32
        %dma_start3A_268 = tpu.memref_slice %arg6[%dma_start3A_265, %dma_start3A_266, %dma_start3A_267] : memref<2x256x128xf32, #tpu.memory_space<vmem>> -> memref<1x256x128xf32, #tpu.memory_space<vmem>>
        %dma_start3A_269 = tpu.memref_squeeze %dma_start3A_268 : memref<1x256x128xf32, #tpu.memory_space<vmem>> -> memref<256x128xf32, #tpu.memory_space<vmem>>
        %dma_start3A_270 = arith.constant 0 : i32
        %dma_start3A_271 = arith.constant 0 : i32
        %dma_start3A_272 = tpu.memref_slice %dma_start3A_269[%dma_start3A_270, %dma_start3A_271] : memref<256x128xf32, #tpu.memory_space<vmem>> -> memref<128x128xf32, #tpu.memory_space<vmem>>
        %dma_start3A_273 = arith.constant 0 : i32
        %dma_start3A_274 = arith.constant 0 : i32
        %dma_start3A_275 = tpu.memref_slice %arg5[%dma_start3A_263, %dma_start3A_273, %dma_start3A_274] : memref<2x2x128xi32, #tpu.memory_space<vmem>> -> memref<1x2x128xi32, #tpu.memory_space<vmem>>
        %dma_start3A_276 = tpu.memref_squeeze %dma_start3A_275 : memref<1x2x128xi32, #tpu.memory_space<vmem>> -> memref<2x128xi32, #tpu.memory_space<vmem>>
        %dma_start3A_277 = arith.constant 0 : i32
        %dma_start3A_278 = tpu.memref_slice %dma_start3A_276[%dma_start3A_264, %dma_start3A_277] : memref<2x128xi32, #tpu.memory_space<vmem>> -> memref<1x128xi32, #tpu.memory_space<vmem>>
        %dma_start3A_279 = tpu.memref_squeeze %dma_start3A_278 : memref<1x128xi32, #tpu.memory_space<vmem>> -> memref<128xi32, #tpu.memory_space<vmem>>
        %dma_start3A_280 = arith.constant 0 : i32
        %dma_start3A_281 = arith.constant 0 : i32
        %dma_start3A_282 = tpu.memref_slice %arg2[%dma_start3A_280, %dma_start3A_281] : memref<64001x128xf32, #tpu.memory_space<hbm>> -> memref<64001x128xf32, #tpu.memory_space<hbm>>
        tpu.enqueue_indirect_dma source(%dma_start3A_282 : memref<64001x128xf32, #tpu.memory_space<hbm>>) target(%dma_start3A_272 : memref<128x128xf32, #tpu.memory_space<vmem>>) offsets(%dma_start3A_279 : memref<128xi32, #tpu.memory_space<vmem>>) semaphore(%arg7 : memref<!tpu.dma_semaphore, #tpu.memory_space<semaphore_mem>>)
        %dma_start3A_283 = arith.constant 0 : i32
        %dma_start3A_284 = arith.constant 1 : i32
        %dma_start3A_285 = arith.constant 0 : i32
        %dma_start3A_286 = arith.constant 0 : i32
        %dma_start3A_287 = arith.constant 0 : i32
        %dma_start3A_288 = tpu.memref_slice %arg6[%dma_start3A_285, %dma_start3A_286, %dma_start3A_287] : memref<2x256x128xf32, #tpu.memory_space<vmem>> -> memref<1x256x128xf32, #tpu.memory_space<vmem>>
        %dma_start3A_289 = tpu.memref_squeeze %dma_start3A_288 : memref<1x256x128xf32, #tpu.memory_space<vmem>> -> memref<256x128xf32, #tpu.memory_space<vmem>>
        %dma_start3A_290 = arith.constant 128 : i32
        %dma_start3A_291 = arith.constant 0 : i32
        %dma_start3A_292 = tpu.memref_slice %dma_start3A_289[%dma_start3A_290, %dma_start3A_291] : memref<256x128xf32, #tpu.memory_space<vmem>> -> memref<128x128xf32, #tpu.memory_space<vmem>>
        %dma_start3A_293 = arith.constant 0 : i32
        %dma_start3A_294 = arith.constant 0 : i32
        %dma_start3A_295 = tpu.memref_slice %arg5[%dma_start3A_283, %dma_start3A_293, %dma_start3A_294] : memref<2x2x128xi32, #tpu.memory_space<vmem>> -> memref<1x2x128xi32, #tpu.memory_space<vmem>>
        %dma_start3A_296 = tpu.memref_squeeze %dma_start3A_295 : memref<1x2x128xi32, #tpu.memory_space<vmem>> -> memref<2x128xi32, #tpu.memory_space<vmem>>
        %dma_start3A_297 = arith.constant 0 : i32
        %dma_start3A_298 = tpu.memref_slice %dma_start3A_296[%dma_start3A_284, %dma_start3A_297] : memref<2x128xi32, #tpu.memory_space<vmem>> -> memref<1x128xi32, #tpu.memory_space<vmem>>
        %dma_start3A_299 = tpu.memref_squeeze %dma_start3A_298 : memref<1x128xi32, #tpu.memory_space<vmem>> -> memref<128xi32, #tpu.memory_space<vmem>>
        %dma_start3A_300 = arith.constant 0 : i32
        %dma_start3A_301 = arith.constant 0 : i32
        %dma_start3A_302 = tpu.memref_slice %arg2[%dma_start3A_300, %dma_start3A_301] : memref<64001x128xf32, #tpu.memory_space<hbm>> -> memref<64001x128xf32, #tpu.memory_space<hbm>>
        tpu.enqueue_indirect_dma source(%dma_start3A_302 : memref<64001x128xf32, #tpu.memory_space<hbm>>) target(%dma_start3A_292 : memref<128x128xf32, #tpu.memory_space<vmem>>) offsets(%dma_start3A_299 : memref<128xi32, #tpu.memory_space<vmem>>) semaphore(%arg7 : memref<!tpu.dma_semaphore, #tpu.memory_space<semaphore_mem>>)
      } else {
      }
      %add3A_195 = arith.constant 1 : i32
      %add3A_196 = arith.addi %mul3A_65, %add3A_195 : i32
      %dma_wait3A_197 = arith.constant 1 : i32
      %dma_wait3A_198 = arith.constant 0 : i32
      %dma_wait3A_199 = arith.constant 1 : i32
      %dma_wait3A_200 = arith.constant 0 : i32
      %dma_wait3A_201 = arith.constant 0 : i32
      %dma_wait3A_202 = tpu.memref_slice %arg6[%dma_wait3A_199, %dma_wait3A_200, %dma_wait3A_201] : memref<2x256x128xf32, #tpu.memory_space<vmem>> -> memref<1x256x128xf32, #tpu.memory_space<vmem>>
      %dma_wait3A_203 = tpu.memref_squeeze %dma_wait3A_202 : memref<1x256x128xf32, #tpu.memory_space<vmem>> -> memref<256x128xf32, #tpu.memory_space<vmem>>
      %dma_wait3A_204 = arith.constant 0 : i32
      %dma_wait3A_205 = arith.constant 0 : i32
      %dma_wait3A_206 = tpu.memref_slice %dma_wait3A_203[%dma_wait3A_204, %dma_wait3A_205] : memref<256x128xf32, #tpu.memory_space<vmem>> -> memref<128x128xf32, #tpu.memory_space<vmem>>
      %dma_wait3A_207 = arith.constant 0 : i32
      %dma_wait3A_208 = arith.constant 0 : i32
      %dma_wait3A_209 = tpu.memref_slice %arg5[%dma_wait3A_197, %dma_wait3A_207, %dma_wait3A_208] : memref<2x2x128xi32, #tpu.memory_space<vmem>> -> memref<1x2x128xi32, #tpu.memory_space<vmem>>
      %dma_wait3A_210 = tpu.memref_squeeze %dma_wait3A_209 : memref<1x2x128xi32, #tpu.memory_space<vmem>> -> memref<2x128xi32, #tpu.memory_space<vmem>>
      %dma_wait3A_211 = arith.constant 0 : i32
      %dma_wait3A_212 = tpu.memref_slice %dma_wait3A_210[%dma_wait3A_198, %dma_wait3A_211] : memref<2x128xi32, #tpu.memory_space<vmem>> -> memref<1x128xi32, #tpu.memory_space<vmem>>
      %dma_wait3A_213 = tpu.memref_squeeze %dma_wait3A_212 : memref<1x128xi32, #tpu.memory_space<vmem>> -> memref<128xi32, #tpu.memory_space<vmem>>
      %dma_wait3A_214 = arith.constant 0 : i32
      %dma_wait3A_215 = arith.constant 0 : i32
      %dma_wait3A_216 = tpu.memref_slice %arg2[%dma_wait3A_214, %dma_wait3A_215] : memref<64001x128xf32, #tpu.memory_space<hbm>> -> memref<64001x128xf32, #tpu.memory_space<hbm>>
      tpu.wait_indirect_dma semaphore(%arg8 : memref<!tpu.dma_semaphore, #tpu.memory_space<semaphore_mem>>) src(%dma_wait3A_216 : memref<64001x128xf32, #tpu.memory_space<hbm>>) dst(%dma_wait3A_206 : memref<128x128xf32, #tpu.memory_space<vmem>>)
      %dma_wait3A_217 = arith.constant 1 : i32
      %dma_wait3A_218 = arith.constant 1 : i32
      %dma_wait3A_219 = arith.constant 1 : i32
      %dma_wait3A_220 = arith.constant 0 : i32
      %dma_wait3A_221 = arith.constant 0 : i32
      %dma_wait3A_222 = tpu.memref_slice %arg6[%dma_wait3A_219, %dma_wait3A_220, %dma_wait3A_221] : memref<2x256x128xf32, #tpu.memory_space<vmem>> -> memref<1x256x128xf32, #tpu.memory_space<vmem>>
      %dma_wait3A_223 = tpu.memref_squeeze %dma_wait3A_222 : memref<1x256x128xf32, #tpu.memory_space<vmem>> -> memref<256x128xf32, #tpu.memory_space<vmem>>
      %dma_wait3A_224 = arith.constant 128 : i32
      %dma_wait3A_225 = arith.constant 0 : i32
      %dma_wait3A_226 = tpu.memref_slice %dma_wait3A_223[%dma_wait3A_224, %dma_wait3A_225] : memref<256x128xf32, #tpu.memory_space<vmem>> -> memref<128x128xf32, #tpu.memory_space<vmem>>
      %dma_wait3A_227 = arith.constant 0 : i32
      %dma_wait3A_228 = arith.constant 0 : i32
      %dma_wait3A_229 = tpu.memref_slice %arg5[%dma_wait3A_217, %dma_wait3A_227, %dma_wait3A_228] : memref<2x2x128xi32, #tpu.memory_space<vmem>> -> memref<1x2x128xi32, #tpu.memory_space<vmem>>
      %dma_wait3A_230 = tpu.memref_squeeze %dma_wait3A_229 : memref<1x2x128xi32, #tpu.memory_space<vmem>> -> memref<2x128xi32, #tpu.memory_space<vmem>>
      %dma_wait3A_231 = arith.constant 0 : i32
      %dma_wait3A_232 = tpu.memref_slice %dma_wait3A_230[%dma_wait3A_218, %dma_wait3A_231] : memref<2x128xi32, #tpu.memory_space<vmem>> -> memref<1x128xi32, #tpu.memory_space<vmem>>
      %dma_wait3A_233 = tpu.memref_squeeze %dma_wait3A_232 : memref<1x128xi32, #tpu.memory_space<vmem>> -> memref<128xi32, #tpu.memory_space<vmem>>
      %dma_wait3A_234 = arith.constant 0 : i32
      %dma_wait3A_235 = arith.constant 0 : i32
      %dma_wait3A_236 = tpu.memref_slice %arg2[%dma_wait3A_234, %dma_wait3A_235] : memref<64001x128xf32, #tpu.memory_space<hbm>> -> memref<64001x128xf32, #tpu.memory_space<hbm>>
      tpu.wait_indirect_dma semaphore(%arg8 : memref<!tpu.dma_semaphore, #tpu.memory_space<semaphore_mem>>) src(%dma_wait3A_236 : memref<64001x128xf32, #tpu.memory_space<hbm>>) dst(%dma_wait3A_226 : memref<128x128xf32, #tpu.memory_space<vmem>>)
      %mul3A_237 = arith.constant 25600 : i32
      %mul3A_238 = arith.muli %add3A, %mul3A_237 : i32
      %mul3A_239 = arith.constant 256 : i32
      %mul3A_240 = arith.muli %add3A_196, %mul3A_239 : i32
      %add3A_241 = arith.addi %mul3A_238, %mul3A_240 : i32
      %dma_start3A_242 = arith.constant 1 : i32
      %dma_start3A_243 = arith.constant 0 : i32
      %dma_start3A_244 = arith.constant 0 : i32
      %dma_start3A_245 = tpu.memref_slice %arg6[%dma_start3A_242, %dma_start3A_243, %dma_start3A_244] : memref<2x256x128xf32, #tpu.memory_space<vmem>> -> memref<1x256x128xf32, #tpu.memory_space<vmem>>
      %dma_start3A_246 = tpu.memref_squeeze %dma_start3A_245 : memref<1x256x128xf32, #tpu.memory_space<vmem>> -> memref<256x128xf32, #tpu.memory_space<vmem>>
      %dma_start3A_247 = arith.constant 0 : i32
      %dma_start3A_248 = tpu.memref_slice %arg4[%add3A_241, %dma_start3A_247] : memref<819200x128xf32, #tpu.memory_space<hbm>> -> memref<256x128xf32, #tpu.memory_space<hbm>>
      %dma_start3A_249 = arith.constant 0 : i32
      %dma_start3A_250 = tpu.memref_slice %arg4[%add3A_241, %dma_start3A_249] : memref<819200x128xf32, #tpu.memory_space<hbm>> -> memref<256x128xf32, #tpu.memory_space<hbm>>
      %dma_start3A_251 = arith.constant 0 : i32
      %dma_start3A_252 = arith.constant 0 : i32
      %dma_start3A_253 = tpu.memref_slice %arg6[%dma_start3A_242, %dma_start3A_251, %dma_start3A_252] : memref<2x256x128xf32, #tpu.memory_space<vmem>> -> memref<1x256x128xf32, #tpu.memory_space<vmem>>
      %dma_start3A_254 = tpu.memref_squeeze %dma_start3A_253 : memref<1x256x128xf32, #tpu.memory_space<vmem>> -> memref<256x128xf32, #tpu.memory_space<vmem>>
      tpu.enqueue_dma source(%dma_start3A_254 : memref<256x128xf32, #tpu.memory_space<vmem>>) target(%dma_start3A_250 : memref<256x128xf32, #tpu.memory_space<hbm>>) target_semaphore(%arg10 : memref<!tpu.dma_semaphore, #tpu.memory_space<semaphore_mem>>)
    }
    %scan3A_48 = arith.constant 50 : i32
    %dma_wait3A = arith.constant 1 : i32
    %dma_wait3A_49 = arith.constant 0 : i32
    %dma_wait3A_50 = arith.constant 0 : i32
    %dma_wait3A_51 = tpu.memref_slice %arg6[%dma_wait3A, %dma_wait3A_49, %dma_wait3A_50] : memref<2x256x128xf32, #tpu.memory_space<vmem>> -> memref<1x256x128xf32, #tpu.memory_space<vmem>>
    %dma_wait3A_52 = tpu.memref_squeeze %dma_wait3A_51 : memref<1x256x128xf32, #tpu.memory_space<vmem>> -> memref<256x128xf32, #tpu.memory_space<vmem>>
    %dma_wait3A_53 = arith.constant 0 : i32
    %dma_wait3A_54 = arith.constant 0 : i32
    %dma_wait3A_55 = tpu.memref_slice %arg4[%dma_wait3A_53, %dma_wait3A_54] : memref<819200x128xf32, #tpu.memory_space<hbm>> -> memref<256x128xf32, #tpu.memory_space<hbm>>
    %dma_wait3A_56 = arith.constant 0 : i32
    %dma_wait3A_57 = arith.constant 0 : i32
    %dma_wait3A_58 = tpu.memref_slice %arg4[%dma_wait3A_56, %dma_wait3A_57] : memref<819200x128xf32, #tpu.memory_space<hbm>> -> memref<256x128xf32, #tpu.memory_space<hbm>>
    %dma_wait3A_59 = arith.constant 0 : i32
    %dma_wait3A_60 = arith.constant 0 : i32
    %dma_wait3A_61 = tpu.memref_slice %arg6[%dma_wait3A, %dma_wait3A_59, %dma_wait3A_60] : memref<2x256x128xf32, #tpu.memory_space<vmem>> -> memref<1x256x128xf32, #tpu.memory_space<vmem>>
    %dma_wait3A_62 = tpu.memref_squeeze %dma_wait3A_61 : memref<1x256x128xf32, #tpu.memory_space<vmem>> -> memref<256x128xf32, #tpu.memory_space<vmem>>
    tpu.wait_dma2 semaphore(%arg10 : memref<!tpu.dma_semaphore, #tpu.memory_space<semaphore_mem>>) src(%dma_wait3A_62 : memref<256x128xf32, #tpu.memory_space<vmem>>) dst(%dma_wait3A_58 : memref<256x128xf32, #tpu.memory_space<hbm>>)
    return
  }
}

module attributes {stable_mosaic.version = 14 : i64} {
  func.func @_transform_body(%arg0: i32, %arg1: memref<512x128xf32, #tpu.memory_space<vmem>>, %arg2: memref<128x128xf32, #tpu.memory_space<vmem>>, %arg3: memref<512x128xf32, #tpu.memory_space<vmem>>) attributes {dimension_semantics = [#tpu.dimension_semantics<arbitrary>], iteration_bounds = array<i64: 126>, scalar_prefetch = 0 : i64, scratch_operands = 0 : i64, tpu.core_type = #tpu.core_type<tc>, window_params = [{transform_indices = @transform_0, window_bounds = array<i64: 512, 128>}, {pipeline_mode = #tpu.pipeline_mode<synchronous>, transform_indices = @transform_1, window_bounds = array<i64: 128, 128>}, {transform_indices = @transform_2, window_bounds = array<i64: 512, 128>}]} {
    %get3A = arith.constant 0 : index
    %get3A_0 = arith.constant 0 : index
    %get3A_1 = vector.load %arg1[%get3A, %get3A_0] : memref<512x128xf32, #tpu.memory_space<vmem>>, vector<512x128xf32>
    %get3A_2 = arith.constant 0 : index
    %get3A_3 = arith.constant 0 : index
    %get3A_4 = vector.load %arg2[%get3A_2, %get3A_3] : memref<128x128xf32, #tpu.memory_space<vmem>>, vector<128x128xf32>
    %dot_general3A = arith.constant dense<0.000000e+00> : vector<512x128xf32>
    %dot_general3A_5 = tpu.matmul %get3A_1, %get3A_4, %dot_general3A {dimension_numbers = #tpu.dot_dimension_numbers<[1], [1], [0], [0], [0, 0, 1, 0], [], []>, transpose_lhs_hint = false} : vector<512x128xf32>, vector<128x128xf32>, vector<512x128xf32> -> vector<512x128xf32>
    %swap3A = arith.constant 0 : index
    %swap3A_6 = arith.constant 0 : index
    %swap3A_7 = vector.load %arg3[%swap3A, %swap3A_6] : memref<512x128xf32, #tpu.memory_space<vmem>>, vector<512x128xf32>
    tpu.vector_store %arg3[%swap3A, %swap3A_6], %dot_general3A_5 {strides = array<i32>} : memref<512x128xf32, #tpu.memory_space<vmem>>, vector<512x128xf32>,
    return
  }
  func.func @transform_0(%arg0: i32) -> (i32, i32) {
    %c0_i32 = arith.constant 0 : i32
    %c0_i32_0 = arith.constant 0 : i32
    return %arg0, %c0_i32 : i32, i32
  }
  func.func @transform_1(%arg0: i32) -> (i32, i32) {
    %c0_i32 = arith.constant 0 : i32
    %c0_i32_0 = arith.constant 0 : i32
    %c0_i32_1 = arith.constant 0 : i32
    return %c0_i32, %c0_i32_0 : i32, i32
  }
  func.func @transform_2(%arg0: i32) -> (i32, i32) {
    %c0_i32 = arith.constant 0 : i32
    %c0_i32_0 = arith.constant 0 : i32
    return %arg0, %c0_i32 : i32, i32
  }
}

module attributes {stable_mosaic.version = 14 : i64} {
  func.func @_ln_body(%arg0: i32, %arg1: memref<3200x128xf32, #tpu.memory_space<vmem>>, %arg2: memref<3200x1xi32, #tpu.memory_space<vmem>>, %arg3: memref<3200x128xf32, #tpu.memory_space<vmem>>, %arg4: memref<8x128xf32, #tpu.memory_space<vmem>>, %arg5: memref<1x128xf32, #tpu.memory_space<vmem>>, %arg6: memref<1x128xf32, #tpu.memory_space<vmem>>, %arg7: memref<3200x128xf32, #tpu.memory_space<vmem>>) attributes {dimension_semantics = [#tpu.dimension_semantics<arbitrary>], iteration_bounds = array<i64: 256>, scalar_prefetch = 0 : i64, scratch_operands = 0 : i64, tpu.core_type = #tpu.core_type<tc>, window_params = [{transform_indices = @transform_0, window_bounds = array<i64: 3200, 128>}, {transform_indices = @transform_1, window_bounds = array<i64: 3200, 1>}, {pipeline_mode = #tpu.pipeline_mode<synchronous>, transform_indices = @transform_2, window_bounds = array<i64: 3200, 128>}, {pipeline_mode = #tpu.pipeline_mode<synchronous>, transform_indices = @transform_3, window_bounds = array<i64: 8, 128>}, {pipeline_mode = #tpu.pipeline_mode<synchronous>, transform_indices = @transform_4, window_bounds = array<i64: 1, 128>}, {pipeline_mode = #tpu.pipeline_mode<synchronous>, transform_indices = @transform_5, window_bounds = array<i64: 1, 128>}, {transform_indices = @transform_6, window_bounds = array<i64: 3200, 128>}]} {
    %get3A = arith.constant 0 : index
    %get3A_0 = arith.constant 0 : index
    %get3A_1 = vector.load %arg1[%get3A, %get3A_0] : memref<3200x128xf32, #tpu.memory_space<vmem>>, vector<3200x128xf32>
    %get3A_2 = arith.constant 0 : index
    %get3A_3 = arith.constant 0 : index
    %get3A_4 = vector.load %arg2[%get3A_2, %get3A_3] : memref<3200x1xi32, #tpu.memory_space<vmem>>, vector<3200x1xi32>
    %iota3A = tpu.iota {dimensions = array<i32: 1>} : vector<3200x8xi32>
    %eq3A = vector.broadcast %get3A_4 : vector<3200x1xi32> to vector<3200x8xi32>
    %eq3A_5 = arith.cmpi eq, %eq3A, %iota3A : vector<3200x8xi32>
    %convert_element_type3A = arith.extui %eq3A_5 : vector<3200x8xi1> to vector<3200x8xi32>
    %convert_element_type3A_6 = arith.sitofp %convert_element_type3A : vector<3200x8xi32> to vector<3200x8xf32>
    %get3A_7 = arith.constant 0 : index
    %get3A_8 = arith.constant 0 : index
    %get3A_9 = vector.load %arg4[%get3A_7, %get3A_8] : memref<8x128xf32, #tpu.memory_space<vmem>>, vector<8x128xf32>
    %dot_general3A = arith.constant dense<0.000000e+00> : vector<3200x128xf32>
    %dot_general3A_10 = tpu.matmul %convert_element_type3A_6, %get3A_9, %dot_general3A {dimension_numbers = #tpu.dot_dimension_numbers<[1], [0], [0], [1], [0, 0, 1, 1], [], []>, transpose_lhs_hint = false} : vector<3200x8xf32>, vector<8x128xf32>, vector<3200x128xf32> -> vector<3200x128xf32>
    %get3A_11 = arith.constant 0 : index
    %get3A_12 = arith.constant 0 : index
    %get3A_13 = vector.load %arg3[%get3A_11, %get3A_12] : memref<3200x128xf32, #tpu.memory_space<vmem>>, vector<3200x128xf32>
    %add3A = arith.addf %get3A_1, %get3A_13 : vector<3200x128xf32>
    %add3A_14 = arith.addf %add3A, %dot_general3A_10 : vector<3200x128xf32>
    %broadcast_in_dim3A = arith.constant 1.000000e+00 : f32
    %broadcast_in_dim3A_15 = vector.broadcast %broadcast_in_dim3A : f32 to vector<128x1xf32>
    %dot_general3A_16 = arith.constant dense<0.000000e+00> : vector<3200x1xf32>
    %dot_general3A_17 = tpu.matmul %add3A_14, %broadcast_in_dim3A_15, %dot_general3A_16 {dimension_numbers = #tpu.dot_dimension_numbers<[1], [0], [0], [1], [0, 0, 1, 1], [], []>, transpose_lhs_hint = false} : vector<3200x128xf32>, vector<128x1xf32>, vector<3200x1xf32> -> vector<3200x1xf32>
    %mul3A = arith.mulf %add3A_14, %add3A_14 : vector<3200x128xf32>
    %dot_general3A_18 = arith.constant dense<0.000000e+00> : vector<3200x1xf32>
    %dot_general3A_19 = tpu.matmul %mul3A, %broadcast_in_dim3A_15, %dot_general3A_18 {dimension_numbers = #tpu.dot_dimension_numbers<[1], [0], [0], [1], [0, 0, 1, 1], [], []>, transpose_lhs_hint = false} : vector<3200x128xf32>, vector<128x1xf32>, vector<3200x1xf32> -> vector<3200x1xf32>
    %mul3A_20 = arith.constant 7.812500e-03 : f32
    %mul3A_21 = vector.broadcast %mul3A_20 : f32 to vector<3200x1xf32>
    %mul3A_22 = arith.mulf %dot_general3A_17, %mul3A_21 : vector<3200x1xf32>
    %mul3A_23 = arith.constant 7.812500e-03 : f32
    %mul3A_24 = vector.broadcast %mul3A_23 : f32 to vector<3200x1xf32>
    %mul3A_25 = arith.mulf %dot_general3A_19, %mul3A_24 : vector<3200x1xf32>
    %mul3A_26 = arith.mulf %mul3A_22, %mul3A_22 : vector<3200x1xf32>
    %sub3A = arith.subf %mul3A_25, %mul3A_26 : vector<3200x1xf32>
    %add3A_27 = arith.constant 9.99999996E-13 : f32
    %add3A_28 = vector.broadcast %add3A_27 : f32 to vector<3200x1xf32>
    %add3A_29 = arith.addf %sub3A, %add3A_28 : vector<3200x1xf32>
    %rsqrt3A = math.rsqrt %add3A_29 : vector<3200x1xf32>
    %sub3A_30 = vector.broadcast %mul3A_22 : vector<3200x1xf32> to vector<3200x128xf32>
    %sub3A_31 = arith.subf %add3A_14, %sub3A_30 : vector<3200x128xf32>
    %mul3A_32 = vector.broadcast %rsqrt3A : vector<3200x1xf32> to vector<3200x128xf32>
    %mul3A_33 = arith.mulf %sub3A_31, %mul3A_32 : vector<3200x128xf32>
    %get3A_34 = arith.constant 0 : index
    %get3A_35 = arith.constant 0 : index
    %get3A_36 = vector.load %arg5[%get3A_34, %get3A_35] : memref<1x128xf32, #tpu.memory_space<vmem>>, vector<1x128xf32>
    %mul3A_37 = vector.broadcast %get3A_36 : vector<1x128xf32> to vector<3200x128xf32>
    %mul3A_38 = arith.mulf %mul3A_33, %mul3A_37 : vector<3200x128xf32>
    %get3A_39 = arith.constant 0 : index
    %get3A_40 = arith.constant 0 : index
    %get3A_41 = vector.load %arg6[%get3A_39, %get3A_40] : memref<1x128xf32, #tpu.memory_space<vmem>>, vector<1x128xf32>
    %add3A_42 = vector.broadcast %get3A_41 : vector<1x128xf32> to vector<3200x128xf32>
    %add3A_43 = arith.addf %mul3A_38, %add3A_42 : vector<3200x128xf32>
    %swap3A = arith.constant 0 : index
    %swap3A_44 = arith.constant 0 : index
    %swap3A_45 = vector.load %arg7[%swap3A, %swap3A_44] : memref<3200x128xf32, #tpu.memory_space<vmem>>, vector<3200x128xf32>
    tpu.vector_store %arg7[%swap3A, %swap3A_44], %add3A_43 {strides = array<i32>} : memref<3200x128xf32, #tpu.memory_space<vmem>>, vector<3200x128xf32>,
    return
  }
  func.func @transform_0(%arg0: i32) -> (i32, i32) {
    %c0_i32 = arith.constant 0 : i32
    %c0_i32_0 = arith.constant 0 : i32
    return %arg0, %c0_i32 : i32, i32
  }
  func.func @transform_1(%arg0: i32) -> (i32, i32) {
    %c0_i32 = arith.constant 0 : i32
    %c0_i32_0 = arith.constant 0 : i32
    return %arg0, %c0_i32 : i32, i32
  }
  func.func @transform_2(%arg0: i32) -> (i32, i32) {
    %c0_i32 = arith.constant 0 : i32
    %c0_i32_0 = arith.constant 0 : i32
    %c0_i32_1 = arith.constant 0 : i32
    return %c0_i32, %c0_i32_0 : i32, i32
  }
  func.func @transform_3(%arg0: i32) -> (i32, i32) {
    %c0_i32 = arith.constant 0 : i32
    %c0_i32_0 = arith.constant 0 : i32
    %c0_i32_1 = arith.constant 0 : i32
    return %c0_i32, %c0_i32_0 : i32, i32
  }
  func.func @transform_4(%arg0: i32) -> (i32, i32) {
    %c0_i32 = arith.constant 0 : i32
    %c0_i32_0 = arith.constant 0 : i32
    %c0_i32_1 = arith.constant 0 : i32
    return %c0_i32, %c0_i32_0 : i32, i32
  }
  func.func @transform_5(%arg0: i32) -> (i32, i32) {
    %c0_i32 = arith.constant 0 : i32
    %c0_i32_0 = arith.constant 0 : i32
    %c0_i32_1 = arith.constant 0 : i32
    return %c0_i32, %c0_i32_0 : i32, i32
  }
  func.func @transform_6(%arg0: i32) -> (i32, i32) {
    %c0_i32 = arith.constant 0 : i32
    %c0_i32_0 = arith.constant 0 : i32
    return %arg0, %c0_i32 : i32, i32
  }
}

</mosaic_0001>

<sc_bundles>
// kernel: kernel.5.cloned.1.call-start
scs
__scs_entry_jumppad:
0x0: {  	(pc) =	sbr.rel $0x88, $3  }
0x1: {  	(tag) =	ssettag $0x0;
	lr =	simm.s32 $0x1  }
0x2: {  	[smem:$0x3F99] =	sst lr;
	_ =	strace $0xD0000000  }
0x3: {  	_ = 	snop  }
0x4: {  	_ = 	snop  }
0x5: {  	_ = 	snop  }
0x6: {  	_ = 	snop  }
0x7: {  	_ = 	snop  }
__scs_overlays_trampoline_lowered:
0x8: {  	[smem:$0x3FA8] =	sst s0  }
0x9: {  	[smem:$0x3FA9] =	sst s1  }
0xa: {  	[smem:$0x3FAA] =	sst s2  }
0xb: {  	[smem:$0x3FAB] =	sst s3  }
0xc: {  	[smem:$0x3FAC] =	sst s4  }
0xd: {  	[smem:$0x3FAD] =	sst s5  }
0xe: {  	[smem:$0x3FAE] =	sst s6  }
0xf: {  	[smem:$0x3FAF] =	sst s7  }
0x10: {  	[smem:$0x3FB0] =	sst s8  }
0x11: {  	[smem:$0x3FB1] =	sst s9;
	s0 =	simm.s32 @!p0 $0x0  }
0x12: {  	s1 =	sld [smem:$0x3F97];
	s0 =	simm.s32 @p0 $0x1  }
0x13: {  	[smem:$0x3FB2] =	sst s0;
	s0 =	simm.s32 @!p1 $0x0  }
0x14: {  	s2 =	sld [smem:$0x3F96];
	s0 =	simm.s32 @p1 $0x1  }
0x15: {  	[smem:$0x3FB3] =	sst s0;
	s0 =	simm.s32 @!p2 $0x0  }
0x16: {  	s3 =	sld [smem:$0x3FDB];
	s0 =	simm.s32 @p2 $0x1  }
0x17: {  	s4 =	simm.s32 $0x1BF5;
	[smem:$0x3FB5] =	sst s0  }
0x18: {  	s0 =	sld [smem:$0x3F98];
	_ =	swait.ge [sflag:s4], $0x0  }
0x19: {  	s7 =	sld [smem:$0x3F99]  }
0x1a: {  	s8 =	sadd.s32 $0xFFFFE003, lr  }
0x1b: {  	s9 =	sadd.s32 $0xFFFFFEF7, lr;
	s5 =	simm.s32 $0xFFFFFFFF;
	p2 =	slt.u32 s8, $0xFFFFF086  }
0x1c: {  	p1 =	slt.u32 s9, $0xF7A;
	s5 =	simm.s32 @!p2 $0x0  }
0x1d: {  	s5 =	simm.s32 @p1 $0x1;
	p0 =	seq.s32 s7, s2  }
0x1e: {  	s7 =	smul.u32 @!p0 $0xF7A, s2;
	p2 =	seq.s32 @!p0 s5, $0x0  }
0x1f: {  	s9 =	smul.u32 $0xF7A, s1;
	s8 =	simm.s32 @!p0 $0x1BF5;
	p2 =	por !p2, p0  }
0x20: {  	[sflag:s8] =	ssyncset.s32 @!p0 $0xFFFFF086;
	s6 =	sadd.s32 @!p0 s3, s7;
	s7 =	simm.s32 @!p0 $0x108  }
0x21: {  	s3 =	sadd.s32 s3, s9;
	s6 =	sadd.s32 @!p0 $0x88, s6;
	s7 =	simm.s32 @p2 $0x1082  }
0x22: {  	[simem:s7], [sflag:s8] =	dma.local @!p0 [hbm:s6], $0xF7A  }
0x23: {  	s9 =	sor.u32 $0xD0000000, s2;
	s6 =	simm.s32 $0x108;
	_ =	swait.ge @!p0 [sflag:s8], $0x0  }
0x24: {  	s3 =	sadd.s32 $0x88, s3;
	s6 =	simm.s32 @!p1 $0x1082;
	[sflag:s4] =	ssyncset.s32 $0xFFFFF086  }
0x25: {  	[simem:s6], [sflag:s4] =	dma.local [hbm:s3], $0xF7A  }
0x26: {  	[smem:$0x3F99] =	sst s1;
	(tag) =	ssettag s2;
	_ =	strace s9  }
0x27: {  	s1 =	sld [smem:$0x3FA9]  }
0x28: {  	s2 =	sld [smem:$0x3FAA]  }
0x29: {  	s4 =	sld [smem:$0x3FAC]  }
0x2a: {  	p0 =	seq.s32 s5, $0x0;
	s5 =	sld [smem:$0x3FAD]  }
0x2b: {  	s6 =	sld [smem:$0x3FAE]  }
0x2c: {  	s7 =	sld [smem:$0x3FAF]  }
0x2d: {  	s3 =	simm.s32 $0x108;
	s8 =	sld [smem:$0x3FB0]  }
0x2e: {  	s3 =	simm.s32 @!p0 $0x1082;
	s9 =	sld [smem:$0x3FB1]  }
0x2f: {  	lr =	sadd.s32 s0, s3;
	s0 =	sld [smem:$0x3FA8]  }
0x30: {  	s3 =	sld [smem:$0x3FAB]  }
0x31: {  	[smem:$0x3FB4] =	sst s10  }
0x32: {  	s10 =	sld [smem:$0x3FB2];
	_ =	sdelay $0x3  }
0x33: {  	p0 =	seq.s32 s10, $0x1;
	s10 =	sld [smem:$0x3FB4];
	_ =	sdelay $0x3  }
0x34: {  	[smem:$0x3FB4] =	sst s10  }
0x35: {  	s10 =	sld [smem:$0x3FB3];
	_ =	sdelay $0x3  }
0x36: {  	p1 =	seq.s32 s10, $0x1;
	s10 =	sld [smem:$0x3FB4];
	_ =	sdelay $0x3  }
0x37: {  	[smem:$0x3FB4] =	sst s10  }
0x38: {  	s10 =	sld [smem:$0x3FB5]  }
0x39: {  	_ = 	snop;
	(pc) =	sbr.ind lr, $3  }
0x3a: {  	_ = 	snop  }
0x3b: {  	_ = 	snop  }
0x3c: {  	p2 =	seq.s32 s10, $0x1;
	s10 =	sld [smem:$0x3FB4]  }
0x3d: {  	_ =	shalt  }
0x3e: {  	_ =	shalt  }
0x3f: {  	_ =	shalt  }
0x40: {  	_ =	shalt  }
0x41: {  	_ =	shalt  }
0x42: {  	_ =	shalt  }
0x43: {  	_ =	shalt  }
0x44: {  	_ =	shalt  }
0x45: {  	_ =	shalt  }
0x46: {  	_ =	shalt  }
0x47: {  	_ =	shalt  }
0x48: {  	_ =	shalt  }
0x49: {  	_ =	shalt  }
0x4a: {  	_ =	shalt  }
0x4b: {  	_ =	shalt  }
0x4c: {  	_ =	shalt  }
0x4d: {  	_ =	shalt  }
0x4e: {  	_ =	shalt  }
0x4f: {  	_ =	shalt  }
0x50: {  	_ =	shalt  }
0x51: {  	_ =	shalt  }
0x52: {  	_ =	shalt  }
0x53: {  	_ =	shalt  }
0x54: {  	_ =	shalt  }
0x55: {  	_ =	shalt  }
0x56: {  	_ =	shalt  }
0x57: {  	_ =	shalt  }
0x58: {  	_ =	shalt  }
0x59: {  	_ =	shalt  }
0x5a: {  	_ =	shalt  }
0x5b: {  	_ =	shalt  }
0x5c: {  	_ =	shalt  }
0x5d: {  	_ =	shalt  }
0x5e: {  	_ =	shalt  }
0x5f: {  	_ =	shalt  }
0x60: {  	_ =	shalt  }
0x61: {  	_ =	shalt  }
0x62: {  	_ =	shalt  }
0x63: {  	_ =	shalt  }
0x64: {  	_ =	shalt  }
0x65: {  	_ =	shalt  }
0x66: {  	_ =	shalt  }
0x67: {  	_ =	shalt  }
0x68: {  	_ =	shalt  }
0x69: {  	_ =	shalt  }
0x6a: {  	_ =	shalt  }
0x6b: {  	_ =	shalt  }
0x6c: {  	_ =	shalt  }
0x6d: {  	_ =	shalt  }
0x6e: {  	_ =	shalt  }
0x6f: {  	_ =	shalt  }
0x70: {  	_ =	shalt  }
0x71: {  	_ =	shalt  }
0x72: {  	_ =	shalt  }
0x73: {  	_ =	shalt  }
0x74: {  	_ =	shalt  }
0x75: {  	_ =	shalt  }
0x76: {  	_ =	shalt  }
0x77: {  	_ =	shalt  }
0x78: {  	_ =	shalt  }
0x79: {  	_ =	shalt  }
0x7a: {  	_ =	shalt  }
0x7b: {  	_ =	shalt  }
0x7c: {  	_ =	shalt  }
0x7d: {  	_ =	shalt  }
0x7e: {  	_ =	shalt  }
0x7f: {  	_ =	shalt  }
0x80: {  	_ =	shalt  }
0x81: {  	_ =	shalt  }
0x82: {  	_ =	shalt  }
0x83: {  	_ =	shalt  }
0x84: {  	_ =	shalt  }
0x85: {  	_ =	shalt  }
0x86: {  	_ =	shalt  }
0x87: {  	_ =	shalt  }
.Lfunc_end0:
.L_simem_size_0:
called_computation_lowered:
.L_overlay_start_0:
0x88: {  	s2 =	sld [smem:$0x3FD9]  }
0x89: {  	s3 =	sld [smem:$0x3FFE];
	_ =	sdelay $0x1  }
0x8a: {  	s1 =	srdreg.scid  }
0x8b: {  	s0 =	sand.u32 $0x1, s1  }
0x8c: {  	s17 =	sshll.u32 s0, $0xA;
	s2 =	sadd.s32 s3, s2  }
0x8d: {  	s2 =	sadd.s32 s2, s17  }
0x8e: {  	[smem:$0x3FC0] =	sst s2  }
0x8f: {  	_ = 	snop  }
0x90: {  	s2 =	sld [smem:$0x3FD0];
	(tm) =	ssettm $0x1  }
0x91: {  	s18 =	sld [smem:$0x3FFB];
	_ =	sdelay $0x3  }
0x92: {  	_ =	strace s18  }
0x93: {  	s3 =	sld [smem:$0x3FFC];
	_ =	sdelay $0x3  }
0x94: {  	_ =	strace s3  }
0x95: {  	s3 =	sld [smem:$0x3FFD];
	_ =	sdelay $0x3  }
0x96: {  	_ =	strace s3  }
0x97: {  	_ =	strace $0x8FFFFFFF  }
0x98: {  	s19 =	sld [smem:$0x3FDB];
	_ =	sdelay $0x1  }
0x99: {  	s4 =	simm.s32 $_scs_section_size  }
0x9a: {  	s5 =	simm.s32 $_size__tile_overlayer_lowered;
	s6 =	simm.s32 $_tile_overlayer_lowered  }
0x9b: {  	s22 =	simm.s32 $0x1BFF;
	s21 =	sshll.u32 s6, $0x1;
	s3 =	sadd.s32 s4, s19  }
0x9c: {  	s7 =	simm.s32 $0x0;
	s20 =	sshll.u32 s5, $0x1;
	s5 =	sadd.s32 s21, s3  }
0x9d: {  	[timem:s7], [sflag:s22] =	dma.local [hbm:s5], s20  }
0x9e: {  	_ =	swait.ge [sflag:s22], s20  }
0x9f: {  	s4 =	ssub.s32 $0x0, s20;
	[sflag:s22] =	ssyncset.done $0x0  }
0xa0: {  	[sflag:s22] =	ssyncadd.s32 s4;
	_ =	sdelay $0x1  }
0xa1: {  	s23 =	simm.s32 $0x1B8B  }
0xa2: {  	_ =	swait.ge [sflag:s23], $0x1  }
0xa3: {  	[sflag:s23] =	ssyncset.done $0x0  }
0xa4: {  	s25 =	simm.s32 $0x1B8E;
	s24 =	sld [smem:$0x3FFE];
	[sflag:s23] =	ssyncadd.s32 $0xFFFFFFFF  }
0xa5: {  	s26 =	simm.s32 $execute0_lowered;
	[smem:$0x3FD2] =	sst s25  }
0xa6: {  	s5 =	sshll.u32 s26, $0x1;
	_ =	strace $0x80000046;
	[dreg:$0x1] =	wrdreg $0xFFFFFFFF  }
0xa7: {  	s28 =	simm.s32 $_size_execute0_lowered;
	s3 =	sadd.s32 s3, s5;
	[dreg:$0x0] =	wrdreg $0x0  }
0xa8: {  	s5 =	sshll.u32 s28, $0x1;
	[dreg:$0x2] =	wrdreg s3  }
0xa9: {  	[dreg:$0x3] =	wrdreg s5  }
0xaa: {  	[dreg:$0x4] =	wrdreg $0xC0  }
0xab: {  	_ =	task [dreg:s7], $0x5FFFF  }
0xac: {  	[dreg:$0x1] =	wrdreg $0xFFFFFFFF  }
0xad: {  	[dreg:$0x0] =	wrdreg $0x60  }
0xae: {  	[dreg:$0x2] =	wrdreg s2  }
0xaf: {  	[dreg:$0x3] =	wrdreg s24  }
0xb0: {  	[dreg:$0x4] =	wrdreg $0x9  }
0xb1: {  	_ =	task.clear_ibuf [dreg:s7], $0x5FFFF;
	_ =	strace $0x90000046  }
0xb2: {  	s29 =	simm.s32 $0x9;
	_ =	strace $0x80000048  }
0xb3: {  	_ =	swait.ge [sflag:s29], $0x1  }
0xb4: {  	[sflag:s29] =	ssyncadd.s32 $0xFFFFFFFF  }
0xb5: {  	_ =	strace $0x90000048  }
0xb6: {  	_ =	sfence  }
0xb7: {  	s30 =	sld [smem:$0x0];
	_ =	sdelay $0x2  }
0xb8: {  	s31 =	sshll.u32 s1, $0xD;
	s1 =	sshrl.u32 s1, $0x2  }
0xb9: {  	s3 =	sand.u32 $0x4000, s31;
	s1 =	sadd.s32 s1, s30  }
0xba: {  	s0 =	sor.u32 s3, s0;
	s1 =	sshll.u32 s1, $0x11  }
0xbb: {  	s0 =	sor.u32 s1, s0  }
0xbc: {  	s0 =	sadd.s32 $0x8F2B, s0  }
0xbd: {  	[sflag:s0] =	ssyncadd.remote.s32 $0x1  }
0xbe: {  	_ =	sfence.sel $0xFFFF  }
0xbf: {  	[dreg:$0x0] =	wrdreg $0xFFFFFFFF;
	(pc) =	sbr.abs _section_cstart, $3  }
0xc0: {  	[dreg:$0x1] =	wrdreg $0xFFFFFFFF  }
0xc1: {  	_ =	task.clear_ibuf [dreg:s7], $0x2FFFF;
	_ =	strace $0x9FFFFFFF  }
0xc2: {  	(tm) =	ssettm $0x7FFFFFFF  }
0xc3: {  	_ =	shalt  }
tec
execute0_lowered:
.L_overlay_start_1:
0x0: {  	(tag) =	ssettag $0x1  }
0x1: {  	s2 =	rddreg [dreg:$0x0]  }
0x2: {  	s0 =	rddreg [dreg:$0x1];
	s1 =	srdreg.scid  }
0x3: {  	s13 =	stileid.u32;
	s3 =	simm.s32 $0x0;
	s17 =	simm.s32 $0x5  }
0x4: {  	s18 =	simm.s32 $0x80;
	s19 =	simm.s32 $0x200;
	s20 =	simm.s32 $0x4200  }
0x5: {  	s21 =	simm.s32 $0x100;
	s22 =	simm.s32 $0x8200;
	s11 =	smul.u32 $0xC800, s13  }
0x6: {  	s1 =	sand.u32 $0x1, s1;
	s4 =	sshll.u32 s13, $0x1;
	s13 =	smul.u32 $0x640000, s13  }
0x7: {  	s28 =	simm.s32 $0x2;
	s29 =	simm.s32 $0x4;
	s12 =	smul.u32 $0x6400, s1  }
0x8: {  	s4 =	sor.u32 s1, s4;
	s5 =	ssub.s32 $0x2, s1;
	s1 =	smul.u32 $0x320000, s1  }
0x9: {  	s30 =	simm.s32 $0x0;
	[smem:$0x7FF] =	sst s3;
	s6 =	smul.u32 $0xC80, s4  }
0xa: {  	s15 =	sadd.s32 $0x1000, s0;
	s0 =	sadd.s32 $0x1A000, s0;
	s8 =	smul.u32 $0x6400, s4  }
0xb: {  	_ =	strace $0x80000047;
	s7 =	sshrl.u32 s5, $0x1;
	s4 =	smul.u32 $0x320000, s4  }
0xc: {  	s5 =	ssub.s32 s5, s7;
	s26 =	sadd.s32 s12, s11;
	s1 =	sadd.s32 s1, s13  }
0xd: {  	s6 =	sadd.s32 s15, s6;
	s9 =	sor.u32 $0x200, s8;
	s23 =	sshrl.u32 s8, $0x3  }
0xe: {  	s5 =	smax.u32 s5, $0x1;
	s4 =	sshrl.u32 s4, $0x3;
	s12 =	sadd.s32 $0x400, s26  }
0xf: {  	s31 =	sor.u32 $0x10000, s1;
	s1 =	sor.u32 $0x18000, s1;
	[dreg:$0x3] =	wrdreg s6  }
0x10: {  	[dreg:$0x4] =	wrdreg s5;
	s10 =	sadd.s32 s15, s23;
	s7 =	sadd.s32 s0, s4  }
0x11: {  	s25 =	sshrl.u32 s9, $0x3;
	s14 =	sshrl.u32 s12, $0x3;
	s4 =	sor.u32 $0x300, s26  }
0x12: {  	s1 =	sshrl.u32 s1, $0x3;
	s23 =	simm.s32 $0x180;
	s26 =	simm.s32 $0x3  }
0x13: {  	s24 =	sadd.s32 $0x20, s10;
	s8 =	sadd.s32 s15, s25;
	s9 =	sadd.s32 $0x1000, s7  }
0x14: {  	s10 =	sadd.s32 $0xC60, s10;
	s11 =	sadd.s32 $0x62000, s7;
	s12 =	sadd.s32 $0x63000, s7  }
0x15: {  	s13 =	sadd.s32 s14, s15;
	s14 =	sshrl.u32 s31, $0x3;
	s16 =	sshrl.u32 s4, $0x3  }
0x16: {  	s4 =	sadd.s32 s1, s0;
	s25 =	simm.s32 $0x1;
	[dreg:$0x5] =	wrdreg s24  }
0x17: {  	s14 =	sadd.s32 s14, s0;
	s16 =	sadd.s32 s16, s15;
	s24 =	simm.s32 $0xC200  }
.LBB2_1:
0x18: {  	s0 =	rddreg [dreg:$0x3]  }
0x19: {  	[tilespmem:s3], [sflag:$0x5] =	stream.linear.gather [hbm4b:s0+s3], $0x100, $0x38;
	[tilespmem:$0x10200] =	vst v63  }
0x1a: {  	_ =	swait.ge [sflag:s17], $0x100  }
0x1b: {  	[sflag:s17] =	ssyncset.done $0x0  }
0x1c: {  	[sflag:s17] =	ssyncadd.s32 $0xFFFFFF00  }
0x1d: {  	[tilespmem:s19], [sflag:$0x1] =	stream.indirect.gather [hbm4b:s2+s18], $0x80, s3, s18, $0xb8;
	[tilespmem:$0x10200] =	vst v63  }
0x1e: {  	_ = 	snop  }
0x1f: {  	[tilespmem:s20], [sflag:$0x1] =	stream.indirect.gather [hbm4b:s2+s18], $0x80, s18, s18, $0xb8;
	[tilespmem:$0x10200] =	vst v63  }
0x20: {  	s5 =	rddreg [dreg:$0x5]  }
0x21: {  	[tilespmem:s21], [sflag:$0x5] =	stream.linear.gather [hbm4b:s5+s3], $0x100, $0x38;
	[tilespmem:$0x10200] =	vst v63  }
0x22: {  	_ =	swait.ge [sflag:s17], $0x100  }
0x23: {  	[sflag:s17] =	ssyncset.done $0x0  }
0x24: {  	[sflag:s17] =	ssyncadd.s32 $0xFFFFFF00  }
0x25: {  	[tilespmem:s22], [sflag:$0x2] =	stream.indirect.gather [hbm4b:s2+s18], $0x80, s21, s18, $0xb8;
	[tilespmem:$0x10200] =	vst v63  }
0x26: {  	_ = 	snop  }
0x27: {  	[tilespmem:s24], [sflag:$0x2] =	stream.indirect.gather [hbm4b:s2+s18], $0x80, s23, s18, $0xb8;
	[tilespmem:$0x10200] =	vst v63  }
0x28: {  	_ =	swait.ge [sflag:s25], $0x4000  }
0x29: {  	[sflag:s25] =	ssyncset.done $0x0  }
0x2a: {  	[sflag:s25] =	ssyncadd.s32 $0xFFFFC000  }
0x2b: {  	_ =	swait.ge [sflag:s25], $0x4000  }
0x2c: {  	[sflag:s25] =	ssyncset.done $0x0  }
0x2d: {  	[sflag:s25] =	ssyncadd.s32 $0xFFFFC000  }
0x2e: {  	[hbm4b:s7+s3] =	stream.linear.scatter [tilespmem:s19], [sflag:$0x3], $0x8000, $0x38;
	[tilespmem:$0x10200] =	vst v63  }
0x2f: {  	_ =	swait.ge [sflag:s26], $0x8000  }
0x30: {  	[sflag:s26] =	ssyncset.done $0x0  }
0x31: {  	[sflag:s26] =	ssyncadd.s32 $0xFFFF8000  }
0x32: {  	[tilespmem:s3], [sflag:$0x5] =	stream.linear.gather [hbm4b:s8+s3], $0x100, $0x38;
	[tilespmem:$0x10200] =	vst v63  }
0x33: {  	_ =	swait.ge [sflag:s17], $0x100  }
0x34: {  	[sflag:s17] =	ssyncset.done $0x0  }
0x35: {  	[sflag:s17] =	ssyncadd.s32 $0xFFFFFF00  }
0x36: {  	[tilespmem:s19], [sflag:$0x1] =	stream.indirect.gather [hbm4b:s2+s18], $0x80, s3, s18, $0xb8;
	[tilespmem:$0x10200] =	vst v63  }
0x37: {  	_ = 	snop  }
0x38: {  	[tilespmem:s20], [sflag:$0x1] =	stream.indirect.gather [hbm4b:s2+s18], $0x80, s18, s18, $0xb8;
	[tilespmem:$0x10200] =	vst v63  }
0x39: {  	_ =	swait.ge [sflag:s28], $0x4000  }
0x3a: {  	[sflag:s28] =	ssyncset.done $0x0  }
0x3b: {  	[sflag:s28] =	ssyncadd.s32 $0xFFFFC000  }
0x3c: {  	_ =	swait.ge [sflag:s28], $0x4000  }
0x3d: {  	[sflag:s28] =	ssyncset.done $0x0  }
0x3e: {  	[sflag:s28] =	ssyncadd.s32 $0xFFFFC000  }
0x3f: {  	[hbm4b:s9+s3] =	stream.linear.scatter [tilespmem:s22], [sflag:$0x4], $0x8000, $0x38;
	[tilespmem:$0x10200] =	vst v63  }
0x40: {  	_ =	swait.ge [sflag:s29], $0x8000  }
0x41: {  	[sflag:s29] =	ssyncset.done $0x0  }
0x42: {  	s6 =	sadd.s32 $0x0, s16;
	[sflag:s29] =	ssyncadd.s32 $0xFFFF8000  }
0x43: {  	[tilespmem:s21], [sflag:$0x5] =	stream.linear.gather [hbm4b:s6+s3], $0x100, $0x38;
	[tilespmem:$0x10200] =	vst v63  }
0x44: {  	_ =	swait.ge [sflag:s17], $0x100  }
0x45: {  	[sflag:s17] =	ssyncset.done $0x0  }
0x46: {  	[sflag:s17] =	ssyncadd.s32 $0xFFFFFF00  }
0x47: {  	[tilespmem:s22], [sflag:$0x2] =	stream.indirect.gather [hbm4b:s2+s18], $0x80, s21, s18, $0xb8;
	[tilespmem:$0x10200] =	vst v63  }
0x48: {  	_ = 	snop  }
0x49: {  	[tilespmem:s24], [sflag:$0x2] =	stream.indirect.gather [hbm4b:s2+s18], $0x80, s23, s18, $0xb8;
	[tilespmem:$0x10200] =	vst v63  }
0x4a: {  	_ =	swait.ge [sflag:s25], $0x4000  }
0x4b: {  	[sflag:s25] =	ssyncset.done $0x0  }
0x4c: {  	[sflag:s25] =	ssyncadd.s32 $0xFFFFC000  }
0x4d: {  	_ =	swait.ge [sflag:s25], $0x4000  }
0x4e: {  	[sflag:s25] =	ssyncset.done $0x0  }
0x4f: {  	[sflag:s25] =	ssyncadd.s32 $0xFFFFC000  }
0x50: {  	[hbm4b:s14+s3] =	stream.linear.scatter [tilespmem:s19], [sflag:$0x3], $0x8000, $0x38;
	[tilespmem:$0x10200] =	vst v63  }
0x51: {  	_ =	swait.ge [sflag:s26], $0x8000  }
0x52: {  	[sflag:s26] =	ssyncset.done $0x0  }
0x53: {  	s15 =	sadd.s32 $0x0, s13;
	[sflag:s26] =	ssyncadd.s32 $0xFFFF8000  }
0x54: {  	[tilespmem:s3], [sflag:$0x5] =	stream.linear.gather [hbm4b:s15+s3], $0x100, $0x38;
	[tilespmem:$0x10200] =	vst v63  }
0x55: {  	_ =	swait.ge [sflag:s17], $0x100  }
0x56: {  	[sflag:s17] =	ssyncset.done $0x0  }
0x57: {  	[sflag:s17] =	ssyncadd.s32 $0xFFFFFF00  }
0x58: {  	[tilespmem:s19], [sflag:$0x1] =	stream.indirect.gather [hbm4b:s2+s18], $0x80, s3, s18, $0xb8;
	[tilespmem:$0x10200] =	vst v63  }
0x59: {  	_ = 	snop  }
0x5a: {  	[tilespmem:s20], [sflag:$0x1] =	stream.indirect.gather [hbm4b:s2+s18], $0x80, s18, s18, $0xb8;
	[tilespmem:$0x10200] =	vst v63  }
0x5b: {  	_ =	swait.ge [sflag:s28], $0x4000  }
0x5c: {  	[sflag:s28] =	ssyncset.done $0x0  }
0x5d: {  	[sflag:s28] =	ssyncadd.s32 $0xFFFFC000  }
0x5e: {  	_ =	swait.ge [sflag:s28], $0x4000  }
0x5f: {  	s31 =	simm.s32 $0x40;
	s1 =	sadd.s32 $0x2000, s4;
	[sflag:s28] =	ssyncset.done $0x0  }
0x60: {  	s0 =	sadd.s32 $0x2000, s14;
	s15 =	smov.u32 s4;
	[sflag:s28] =	ssyncadd.s32 $0xFFFFC000  }
.LBB2_2:
0x61: {  	[hbm4b:s15+s3] =	stream.linear.scatter [tilespmem:s22], [sflag:$0x4], $0x8000, $0x38;
	[tilespmem:$0x10200] =	vst v63  }
0x62: {  	s5 =	smov.u32 s31;
	s15 =	smov.u32 s1  }
0x63: {  	p0 =	sne.s32 s31, $0xBC0;
	s31 =	sadd.s32 $0x40, s31;
	_ =	swait.ge [sflag:s29], $0x8000  }
0x64: {  	[sflag:s29] =	ssyncset.done $0x0  }
0x65: {  	s6 =	sadd.s32 s5, s16;
	[sflag:s29] =	ssyncadd.s32 $0xFFFF8000  }
0x66: {  	[tilespmem:s21], [sflag:$0x5] =	stream.linear.gather [hbm4b:s6+s3], $0x100, $0x38;
	[tilespmem:$0x10200] =	vst v63  }
0x67: {  	_ =	swait.ge [sflag:s17], $0x100  }
0x68: {  	[sflag:s17] =	ssyncset.done $0x0  }
0x69: {  	[sflag:s17] =	ssyncadd.s32 $0xFFFFFF00  }
0x6a: {  	[tilespmem:s22], [sflag:$0x2] =	stream.indirect.gather [hbm4b:s2+s18], $0x80, s21, s18, $0xb8;
	[tilespmem:$0x10200] =	vst v63  }
0x6b: {  	_ = 	snop  }
0x6c: {  	[tilespmem:s24], [sflag:$0x2] =	stream.indirect.gather [hbm4b:s2+s18], $0x80, s23, s18, $0xb8;
	[tilespmem:$0x10200] =	vst v63  }
0x6d: {  	_ =	swait.ge [sflag:s25], $0x4000  }
0x6e: {  	[sflag:s25] =	ssyncset.done $0x0  }
0x6f: {  	[sflag:s25] =	ssyncadd.s32 $0xFFFFC000  }
0x70: {  	_ =	swait.ge [sflag:s25], $0x4000  }
0x71: {  	[sflag:s25] =	ssyncset.done $0x0  }
0x72: {  	[sflag:s25] =	ssyncadd.s32 $0xFFFFC000  }
0x73: {  	[hbm4b:s0+s3] =	stream.linear.scatter [tilespmem:s19], [sflag:$0x3], $0x8000, $0x38;
	[tilespmem:$0x10200] =	vst v63  }
0x74: {  	_ =	swait.ge [sflag:s26], $0x8000  }
0x75: {  	[sflag:s26] =	ssyncset.done $0x0  }
0x76: {  	s5 =	sadd.s32 s5, s13;
	[sflag:s26] =	ssyncadd.s32 $0xFFFF8000  }
0x77: {  	[tilespmem:s3], [sflag:$0x5] =	stream.linear.gather [hbm4b:s5+s3], $0x100, $0x38;
	[tilespmem:$0x10200] =	vst v63  }
0x78: {  	_ =	swait.ge [sflag:s17], $0x100  }
0x79: {  	[sflag:s17] =	ssyncset.done $0x0  }
0x7a: {  	[sflag:s17] =	ssyncadd.s32 $0xFFFFFF00  }
0x7b: {  	[tilespmem:s19], [sflag:$0x1] =	stream.indirect.gather [hbm4b:s2+s18], $0x80, s3, s18, $0xb8;
	[tilespmem:$0x10200] =	vst v63  }
0x7c: {  	_ = 	snop  }
0x7d: {  	[tilespmem:s20], [sflag:$0x1] =	stream.indirect.gather [hbm4b:s2+s18], $0x80, s18, s18, $0xb8;
	[tilespmem:$0x10200] =	vst v63  }
0x7e: {  	_ =	swait.ge [sflag:s28], $0x4000  }
.Ltmp0:
0x7f: {  	[sflag:s28] =	ssyncset.done $0x0;
	(pc) =	sbr.rel @p0 .LBB2_2-.Ltmp0, $4  }
0x80: {  	[sflag:s28] =	ssyncadd.s32 $0xFFFFC000  }
0x81: {  	_ =	swait.ge [sflag:s28], $0x4000  }
0x82: {  	[sflag:s28] =	ssyncset.done $0x0  }
0x83: {  	s1 =	sadd.s32 $0x2000, s1;
	s0 =	sadd.s32 $0x2000, s0;
	[sflag:s28] =	ssyncadd.s32 $0xFFFFC000  }
0x84: {  	[hbm4b:s15+s3] =	stream.linear.scatter [tilespmem:s22], [sflag:$0x4], $0x8000, $0x38;
	[tilespmem:$0x10200] =	vst v63  }
0x85: {  	_ =	swait.ge [sflag:s29], $0x8000  }
0x86: {  	[sflag:s29] =	ssyncset.done $0x0  }
0x87: {  	[sflag:s29] =	ssyncadd.s32 $0xFFFF8000  }
0x88: {  	[tilespmem:s21], [sflag:$0x5] =	stream.linear.gather [hbm4b:s10+s3], $0x100, $0x38;
	[tilespmem:$0x10200] =	vst v63  }
0x89: {  	_ =	swait.ge [sflag:s17], $0x100  }
0x8a: {  	[sflag:s17] =	ssyncset.done $0x0  }
0x8b: {  	[sflag:s17] =	ssyncadd.s32 $0xFFFFFF00  }
0x8c: {  	[tilespmem:s22], [sflag:$0x2] =	stream.indirect.gather [hbm4b:s2+s18], $0x80, s21, s18, $0xb8;
	[tilespmem:$0x10200] =	vst v63  }
0x8d: {  	_ = 	snop  }
0x8e: {  	[tilespmem:s24], [sflag:$0x2] =	stream.indirect.gather [hbm4b:s2+s18], $0x80, s23, s18, $0xb8;
	[tilespmem:$0x10200] =	vst v63  }
0x8f: {  	_ =	swait.ge [sflag:s25], $0x4000  }
0x90: {  	[sflag:s25] =	ssyncset.done $0x0  }
0x91: {  	[sflag:s25] =	ssyncadd.s32 $0xFFFFC000  }
0x92: {  	_ =	swait.ge [sflag:s25], $0x4000  }
0x93: {  	[sflag:s25] =	ssyncset.done $0x0  }
0x94: {  	[sflag:s25] =	ssyncadd.s32 $0xFFFFC000  }
0x95: {  	[hbm4b:s11+s3] =	stream.linear.scatter [tilespmem:s19], [sflag:$0x3], $0x8000, $0x38;
	[tilespmem:$0x10200] =	vst v63  }
0x96: {  	_ =	swait.ge [sflag:s26], $0x8000  }
0x97: {  	[sflag:s26] =	ssyncset.done $0x0  }
0x98: {  	[sflag:s26] =	ssyncadd.s32 $0xFFFF8000  }
0x99: {  	_ =	swait.ge [sflag:s28], $0x4000  }
0x9a: {  	[sflag:s28] =	ssyncset.done $0x0  }
0x9b: {  	[sflag:s28] =	ssyncadd.s32 $0xFFFFC000  }
0x9c: {  	_ =	swait.ge [sflag:s28], $0x4000  }
0x9d: {  	[sflag:s28] =	ssyncset.done $0x0  }
0x9e: {  	[sflag:s28] =	ssyncadd.s32 $0xFFFFC000  }
0x9f: {  	[hbm4b:s12+s3] =	stream.linear.scatter [tilespmem:s22], [sflag:$0x4], $0x8000, $0x38;
	[tilespmem:$0x10200] =	vst v63  }
0xa0: {  	_ =	swait.ge [sflag:s29], $0x8000  }
0xa1: {  	s30 =	sadd.s32 $0x1, s30;
	s0 =	rddreg [dreg:$0x4]  }
0xa2: {  	p0 =	sne.s32 s30, s0  }
.Ltmp1:
0xa3: {  	_ = 	snop;
	(pc) =	sbr.rel @p0 .LBB2_1-.Ltmp1, $3  }
0xa4: {  	_ =	sdelay $0x1  }
0xa5: {  	[sflag:s29] =	ssyncset.done $0x0  }
0xa6: {  	[sflag:s29] =	ssyncadd.s32 $0xFFFF8000  }
0xa7: {  	_ =	sfence.sel $0x180000  }
0xa8: {  	[bflag:$0x0] =	sbarrier.arrive $0xFFFF  }
0xa9: {  	_ =	strace $0x90000047  }
0xaa: {  	s0 =	stileid.u32;
	[bflag:$0x2] =	sbarrier.arrive $0xFFFF  }
0xab: {  	p0 =	sne.s32 s0, $0x0;
	s0 =	rddreg [dreg:$0x2]  }
0xac: {  	s0 =	sadd.s32 @!p0 $0x100000, s0  }
0xad: {  	[sflag:s0] =	ssyncadd.tile.s32 @!p0 $0x1;
	_ =	shalt  }
.Lfunc_end2:
_tile_overlayer_lowered:
.L_overlay_start_2:
0xae: {  	(tag) =	ssettag $0x2  }
0xaf: {  	s0 =	rddreg [dreg:$0x0];
	s2 =	stileid.u32  }
0xb0: {  	s1 =	rddreg [dreg:$0x1];
	p0 =	sne.s32 s2, $0x0  }
0xb1: {  	s3 =	rddreg [dreg:$0x2];
	[bflag:$0x3] =	sbarrier.arrive $0xFFFF;
	s2 =	simm.s32 @!p0 $0x1C05  }
0xb2: {  	[timem:s3], [sflag:s2] =	dma.local @!p0 [hbm:s0], s1  }
0xb3: {  	s0 =	simm.s32 @!p0 $0x5  }
0xb4: {  	_ =	swait.ge @!p0 [sflag:s0], s1  }
0xb5: {  	s1 =	ssub.s32 @!p0 $0x0, s1;
	[sflag:s0] =	ssyncset.done @!p0 $0x0  }
0xb6: {  	[sflag:s0] =	ssyncadd.s32 @!p0 s1  }
0xb7: {  	[bflag:$0x3] =	sbarrier.arrive $0xFFFF  }
0xb8: {  	_ =	shalt  }

</sc_bundles>
